<compile_context>
chip_gen: v7x
topology: tpu7x:2x2x1
jax: 0.10.2.dev20260603
libtpu: 0.0.44.dev20260713+nightly
codegen_flags: <defaults>
</compile_context>

<pallas_src>
import functools

import jax
import jax.numpy as jnp
from jax import lax
from jax.experimental import pallas as pl
from jax.experimental.pallas import tpu as pltpu
from jax.experimental.pallas import tpu_sc as plsc

_BR = 256
_NSTREAM = 2
_RSC = 1024
_DIAG = 512

_INFO = plsc.get_sparse_core_info()
_NC = _INFO.num_cores
_NS = _INFO.num_subcores
_NW = _NC * _NS
_L = _INFO.num_lanes

_ROWS_PER_TILE = _RSC // _NW
_CHUNK_ROWS = 8
_NCHUNK = _ROWS_PER_TILE // _CHUNK_ROWS


def _diag_sums(x, lab, ld, base):
    d = x.shape[0]
    colsd = lax.broadcasted_iota(jnp.int32, (d, d), 1) + base
    rowsd = lax.broadcasted_iota(jnp.int32, (d, d), 0) + base
    t2v = jnp.sum(jnp.where(colsd == lab[:, None], x, 0.0))
    v2t = jnp.sum(jnp.where(rowsd == ld[None, :], x, 0.0))
    return t2v + v2t


def _stream_body(i, s, x_ref, labels_ref, ldict_ref, colsum_ref):
    x = x_ref[...]
    br, b = x.shape
    blk = s * pl.num_programs(0) + i

    e = jnp.exp(x)
    rlse = jnp.log(jnp.sum(e, axis=1))
    colsum_ref[0, :] += jnp.sum(e, axis=0)

    xd = x_ref[:, pl.ds(blk * br, br)]
    nom = _diag_sums(xd, labels_ref[0, :], ldict_ref[0, :], blk * br)
    return jnp.sum(rlse) - nom


def _tc_body(*refs):
    lab_refs = refs[0:2 * _NSTREAM:2]
    ld_refs = refs[1:2 * _NSTREAM:2]
    x_refs = refs[2 * _NSTREAM:3 * _NSTREAM]
    xdiag_ref, labd_ref, ldd_ref = refs[3 * _NSTREAM:3 * _NSTREAM + 3]
    colsum_ref, acc_ref = refs[3 * _NSTREAM + 3:3 * _NSTREAM + 5]
    colpart_refs = refs[3 * _NSTREAM + 5:]

    i = pl.program_id(0)
    nb = pl.num_programs(0)
    b = x_refs[0].shape[1]
    n_scb = _RSC // _DIAG
    first_scb = (b - _RSC) // _DIAG

    @pl.when(i == 0)
    def _init():
        for cs in colpart_refs:
            cs[...] = jnp.zeros_like(cs)
        acc_ref[...] = jnp.zeros_like(acc_ref)

    tot = 0.0
    for s in range(_NSTREAM):
        tot += _stream_body(i, s, x_refs[s], lab_refs[s], ld_refs[s],
                            colpart_refs[s])

    @pl.when(i < n_scb)
    def _sc_noms():
        base = (first_scb + i) * _DIAG
        nom = _diag_sums(xdiag_ref[...], labd_ref[0, :], ldd_ref[0, :], base)
        acc_ref[...] += jnp.reshape(-nom, (1, 1))

    acc_ref[...] += jnp.reshape(tot, (1, 1))

    @pl.when(i == nb - 1)
    def _fin():
        colsum = colpart_refs[0][0, :]
        for cs in colpart_refs[1:]:
            colsum = colsum + cs[0, :]
        colsum_ref[0, :] = colsum


def _sc_body(x_hbm, colpart_hbm, rowpart_hbm,
             chunk0, chunk1, colacc, rowacc, sem0, sem1):
    b = x_hbm.shape[1]
    wid = lax.axis_index("s") * _NC + lax.axis_index("c")
    row0 = (b - _RSC) + wid * _ROWS_PER_TILE

    def _zero(k, _):
        colacc[pl.ds(k * _L, _L)] = jnp.zeros((_L,), jnp.float32)
        return 0
    lax.fori_loop(0, b // _L, _zero, 0)

    bufs = (chunk0, chunk1)
    sems = (sem0, sem1)
    copies = [None, None]
    copies[0] = pltpu.async_copy(
        x_hbm.at[pl.ds(row0, _CHUNK_ROWS), :], bufs[0], sems[0])
    for c in range(_NCHUNK):
        if c + 1 < _NCHUNK:
            copies[(c + 1) % 2] = pltpu.async_copy(
                x_hbm.at[pl.ds(row0 + (c + 1) * _CHUNK_ROWS, _CHUNK_ROWS), :],
                bufs[(c + 1) % 2], sems[(c + 1) % 2])
        copies[c % 2].wait()
        buf = bufs[c % 2]

        colacc[pl.ds(0, _L)] += buf[0, pl.ds(0, _L)]
        for r in range(_CHUNK_ROWS):
            rowacc[c * _CHUNK_ROWS + r, :] = buf[r, pl.ds(0, _L)]

    pltpu.sync_copy(colacc, colpart_hbm.at[wid])
    pltpu.sync_copy(rowacc,
                    rowpart_hbm.at[pl.ds(wid * _ROWS_PER_TILE,
                                         _ROWS_PER_TILE), :])


def _sc_partial(q2ctx_scores):
    b = q2ctx_scores.shape[0]
    mesh = plsc.VectorSubcoreMesh(core_axis_name="c", subcore_axis_name="s")
    return pl.kernel(
        _sc_body,
        mesh=mesh,
        out_type=[
            jax.ShapeDtypeStruct((_NW, b), jnp.float32),
            jax.ShapeDtypeStruct((_RSC, _L), jnp.float32),
        ],
        scratch_types=[
            pltpu.VMEM((_CHUNK_ROWS, b), jnp.float32),
            pltpu.VMEM((_CHUNK_ROWS, b), jnp.float32),
            pltpu.VMEM((b,), jnp.float32),
            pltpu.VMEM((_ROWS_PER_TILE, _L), jnp.float32),
            pltpu.SemaphoreType.DMA,
            pltpu.SemaphoreType.DMA,
        ],
        compiler_params=pltpu.CompilerParams(use_tc_tiling_on_sc=True),
    )(q2ctx_scores)


def _combine_body(colsum_ref, acc_ref, colpart_ref, rowpart_ref, out_ref):
    b = colsum_ref.shape[1]
    colsum = colsum_ref[0, :] + jnp.sum(colpart_ref[...], axis=0)
    clse = jnp.log(colsum)
    rsums = jnp.sum(rowpart_ref[...], axis=1)
    rlse = jnp.log(rsums)
    total = acc_ref[0, 0] + jnp.sum(clse) + jnp.sum(rlse)
    out_ref[...] = jnp.reshape(total / b, (1, 1))


def kernel(labels, label_dict, q2ctx_scores):
    b = q2ctx_scores.shape[0]
    labels2 = labels.astype(jnp.int32).reshape(1, b)
    ldict2 = label_dict.astype(jnp.int32).reshape(1, b)
    r_tc = b - _RSC
    grid = r_tc // (_BR * _NSTREAM)
    n_scb = _RSC // _DIAG
    first_scb = r_tc // _DIAG

    def _diag_idx(i):
        return jnp.minimum(i, n_scb - 1) + first_scb

    lab_specs = []
    x_specs = []
    args = []
    for s in range(_NSTREAM):
        off = s * grid
        lab_specs.append(pl.BlockSpec((1, _BR), lambda i, o=off: (0, o + i)))
        lab_specs.append(pl.BlockSpec((1, _BR), lambda i, o=off: (0, o + i)))
        x_specs.append(pl.BlockSpec((_BR, b), lambda i, o=off: (o + i, 0)))
        args.extend([labels2, ldict2])
    args.extend([q2ctx_scores] * _NSTREAM)

    diag_specs = [
        pl.BlockSpec((_DIAG, _DIAG), lambda i: (_diag_idx(i), _diag_idx(i))),
        pl.BlockSpec((1, _DIAG), lambda i: (0, _diag_idx(i))),
        pl.BlockSpec((1, _DIAG), lambda i: (0, _diag_idx(i))),
    ]
    args.extend([q2ctx_scores, labels2, ldict2])

    colsum_a, acc_a = pl.pallas_call(
        _tc_body,
        grid=(grid,),
        in_specs=lab_specs + x_specs + diag_specs,
        out_specs=[
            pl.BlockSpec((1, b), lambda i: (0, 0)),
            pl.BlockSpec((1, 1), lambda i: (0, 0)),
        ],
        out_shape=[
            jax.ShapeDtypeStruct((1, b), jnp.float32),
            jax.ShapeDtypeStruct((1, 1), jnp.float32),
        ],
        scratch_shapes=[pltpu.VMEM((1, b), jnp.float32)] * _NSTREAM,
    )(*args)

    colpart, rowpart = _sc_partial(q2ctx_scores)

    out = pl.pallas_call(
        _combine_body,
        out_shape=jax.ShapeDtypeStruct((1, 1), jnp.float32),
    )(colsum_a, acc_a, colpart, rowpart)
    return out[0, 0]

# --- scband reference (transcript-rebuilt; emitter-appended) ---
"""Pipeline reference for scband-clip-nce-47158740910206 (READ-ONLY COPY).

The authoritative reference and input builder live on the scoring server;
editing this copy changes nothing except your own understanding.
"""

import jax, jax.numpy as jnp
import numpy as np


def setup_inputs(seed: int = 0) -> dict:
    key = jax.random.key(seed)
    B = 4096
    labels = jnp.arange(B, dtype=jnp.int64) if jax.config.jax_enable_x64 else jnp.arange(B, dtype=jnp.int32)
    label_dict = labels  # label_dict[i] = query index paired with video i (one-to-one)
    q2ctx_scores = jax.random.normal(jax.random.fold_in(key, 1), (B, B), dtype=jnp.float32)
    return {"labels": labels, "label_dict": label_dict, "q2ctx_scores": q2ctx_scores}


def reference(labels, label_dict, q2ctx_scores):
    # many2many=False, pos_topk=False branch of clip_nce with reduction='mean'
    query_bsz = q2ctx_scores.shape[0]
    vid_bsz = q2ctx_scores.shape[1]
    diag = jnp.arange(query_bsz)
    # t2v: nominator is the paired score (logsumexp over a single element = the element)
    t2v_nominator = q2ctx_scores[diag, labels]
    t2v_denominator = jax.scipy.special.logsumexp(q2ctx_scores, axis=1)
    # v2t: for each video i, label_dict[i] is the (single) query index paired with it;
    # v2t_nominator[i] = logsumexp(q2ctx_scores[label_dict[i], i]) = q2ctx_scores[label_dict[i], i]
    vdiag = jnp.arange(vid_bsz)
    v2t_nominator = q2ctx_scores[label_dict, vdiag]
    v2t_denominator = jax.scipy.special.logsumexp(q2ctx_scores, axis=0)
    loss = jnp.mean(t2v_denominator - t2v_nominator) + jnp.mean(v2t_denominator - v2t_nominator)
    return loss

if __name__ == "__main__":
    import jax
    _d = setup_inputs()
    print(jax.jit(kernel)(*tuple(_d.values())))

</pallas_src>

<mosaic_0001>
#map = affine_map<(d0, d1) -> (0, 0)>
module attributes {stable_mosaic.version = 14 : i64} {
  func.func @_sc_body(%arg0: i32, %arg1: i32, %arg2: memref<4096x4096xf32, #tpu.memory_space<hbm>>, %arg3: memref<32x4096xf32, #tpu.memory_space<hbm>>, %arg4: memref<1024x16xf32, #tpu.memory_space<hbm>>, %arg5: memref<8x4096xf32, #tpu.memory_space<vmem>>, %arg6: memref<8x4096xf32, #tpu.memory_space<vmem>>, %arg7: memref<4096xf32, #tpu.memory_space<vmem>>, %arg8: memref<32x16xf32, #tpu.memory_space<vmem>>, %arg9: memref<!tpu.dma_semaphore, #tpu.memory_space<semaphore_mem>>, %arg10: memref<!tpu.dma_semaphore, #tpu.memory_space<semaphore_mem>>) attributes {dimension_semantics = [#tpu.dimension_semantics<core_parallel>, #tpu.dimension_semantics<subcore_parallel>], iteration_bounds = array<i64: 2, 16>, scalar_prefetch = 0 : i64, scratch_operands = 6 : i64, tpu.core_type = #tpu.core_type<sc_vector_subcore>, window_params = [{transform_indices = #map}, {transform_indices = #map}, {transform_indices = #map}]} {
    %mul3A = arith.constant 2 : i32
    %mul3A_0 = arith.muli %arg1, %mul3A : i32
    %add3A = arith.addi %mul3A_0, %arg0 : i32
    %mul3A_1 = arith.constant 32 : i32
    %mul3A_2 = arith.muli %add3A, %mul3A_1 : i32
    %add3A_3 = arith.constant 3072 : i32
    %add3A_4 = arith.addi %add3A_3, %mul3A_2 : i32
    %scan3A = arith.constant 0 : i32
    %scan3A_5 = arith.constant 0 : i32
    %scan3A_6 = arith.constant 256 : i32
    %scan3A_7 = arith.addi %scan3A_5, %scan3A_6 : i32
    %scan3A_8 = arith.constant 1 : i32
    %scan3A_9 = scf.for %scan3A_451 = %scan3A_5 to %scan3A_7 step %scan3A_8 iter_args(%scan3A_452 = %scan3A) -> (i32)  : i32 {
      %broadcast_in_dim3A = arith.constant 0.000000e+00 : f32
      %broadcast_in_dim3A_453 = vector.broadcast %broadcast_in_dim3A : f32 to vector<16xf32>
      %mul3A_454 = arith.constant 16 : i32
      %mul3A_455 = arith.muli %scan3A_451, %mul3A_454 : i32
      %swap3A_456 = arith.index_cast %mul3A_455 : i32 to index
      %swap3A_457 = tpu.vector_load %arg7[%swap3A_456] {strides = array<i32>} : memref<4096xf32, #tpu.memory_space<vmem>>, vector<16xf32>,
      %swap3A_458 = vector.shape_cast %swap3A_457 : vector<16xf32> to vector<16xf32>
      %swap3A_459 = vector.shape_cast %broadcast_in_dim3A_453 : vector<16xf32> to vector<16xf32>
      tpu.vector_store %arg7[%swap3A_456], %swap3A_459 {strides = array<i32>} : memref<4096xf32, #tpu.memory_space<vmem>>, vector<16xf32>,
      %scan3A_460 = arith.constant 0 : i32
      scf.yield %scan3A_460 : i32
    }
    %scan3A_10 = arith.constant 256 : i32
    %dma_start3A = arith.constant 0 : i32
    %dma_start3A_11 = tpu.memref_slice %arg2[%add3A_4, %dma_start3A] : memref<4096x4096xf32, #tpu.memory_space<hbm>> -> memref<8x4096xf32, #tpu.memory_space<hbm>>
    %dma_start3A_12 = arith.constant 0 : i32
    %dma_start3A_13 = tpu.memref_slice %arg2[%add3A_4, %dma_start3A_12] : memref<4096x4096xf32, #tpu.memory_space<hbm>> -> memref<8x4096xf32, #tpu.memory_space<hbm>>
    tpu.enqueue_dma source(%dma_start3A_13 : memref<8x4096xf32, #tpu.memory_space<hbm>>) target(%arg5 : memref<8x4096xf32, #tpu.memory_space<vmem>>) target_semaphore(%arg9 : memref<!tpu.dma_semaphore, #tpu.memory_space<semaphore_mem>>)
    %add3A_14 = arith.constant 8 : i32
    %add3A_15 = arith.addi %add3A_4, %add3A_14 : i32
    %dma_start3A_16 = arith.constant 0 : i32
    %dma_start3A_17 = tpu.memref_slice %arg2[%add3A_15, %dma_start3A_16] : memref<4096x4096xf32, #tpu.memory_space<hbm>> -> memref<8x4096xf32, #tpu.memory_space<hbm>>
    %dma_start3A_18 = arith.constant 0 : i32
    %dma_start3A_19 = tpu.memref_slice %arg2[%add3A_15, %dma_start3A_18] : memref<4096x4096xf32, #tpu.memory_space<hbm>> -> memref<8x4096xf32, #tpu.memory_space<hbm>>
    tpu.enqueue_dma source(%dma_start3A_19 : memref<8x4096xf32, #tpu.memory_space<hbm>>) target(%arg6 : memref<8x4096xf32, #tpu.memory_space<vmem>>) target_semaphore(%arg10 : memref<!tpu.dma_semaphore, #tpu.memory_space<semaphore_mem>>)
    %dma_wait3A = arith.constant 0 : i32
    %dma_wait3A_20 = tpu.memref_slice %arg2[%add3A_4, %dma_wait3A] : memref<4096x4096xf32, #tpu.memory_space<hbm>> -> memref<8x4096xf32, #tpu.memory_space<hbm>>
    %dma_wait3A_21 = arith.constant 0 : i32
    %dma_wait3A_22 = tpu.memref_slice %arg2[%add3A_4, %dma_wait3A_21] : memref<4096x4096xf32, #tpu.memory_space<hbm>> -> memref<8x4096xf32, #tpu.memory_space<hbm>>
    tpu.wait_dma2 semaphore(%arg9 : memref<!tpu.dma_semaphore, #tpu.memory_space<semaphore_mem>>) src(%dma_wait3A_22 : memref<8x4096xf32, #tpu.memory_space<hbm>>) dst(%arg5 : memref<8x4096xf32, #tpu.memory_space<vmem>>)
    %get3A = arith.constant 0 : index
    %get3A_23 = tpu.vector_load %arg7[%get3A] {strides = array<i32>} : memref<4096xf32, #tpu.memory_space<vmem>>, vector<16xf32>,
    %get3A_24 = vector.shape_cast %get3A_23 : vector<16xf32> to vector<16xf32>
    %get3A_25 = arith.constant 0 : i32
    %get3A_26 = arith.index_cast %get3A_25 : i32 to index
    %get3A_27 = arith.constant 0 : index
    %get3A_28 = tpu.vector_load %arg5[%get3A_26, %get3A_27] {strides = array<i32>} : memref<8x4096xf32, #tpu.memory_space<vmem>>, vector<1x16xf32>,
    %get3A_29 = vector.shape_cast %get3A_28 : vector<1x16xf32> to vector<16xf32>
    %add3A_30 = arith.addf %get3A_24, %get3A_29 : vector<16xf32>
    %swap3A = arith.constant 0 : index
    %swap3A_31 = tpu.vector_load %arg7[%swap3A] {strides = array<i32>} : memref<4096xf32, #tpu.memory_space<vmem>>, vector<16xf32>,
    %swap3A_32 = vector.shape_cast %swap3A_31 : vector<16xf32> to vector<16xf32>
    %swap3A_33 = vector.shape_cast %add3A_30 : vector<16xf32> to vector<16xf32>
    tpu.vector_store %arg7[%swap3A], %swap3A_33 {strides = array<i32>} : memref<4096xf32, #tpu.memory_space<vmem>>, vector<16xf32>,
    %get3A_34 = arith.constant 0 : i32
    %get3A_35 = arith.index_cast %get3A_34 : i32 to index
    %get3A_36 = arith.constant 0 : index
    %get3A_37 = tpu.vector_load %arg5[%get3A_35, %get3A_36] {strides = array<i32>} : memref<8x4096xf32, #tpu.memory_space<vmem>>, vector<1x16xf32>,
    %get3A_38 = vector.shape_cast %get3A_37 : vector<1x16xf32> to vector<16xf32>
    %swap3A_39 = arith.constant 0 : i32
    %swap3A_40 = arith.index_cast %swap3A_39 : i32 to index
    %swap3A_41 = arith.constant 0 : index
    %swap3A_42 = tpu.vector_load %arg8[%swap3A_40, %swap3A_41] {strides = array<i32>} : memref<32x16xf32, #tpu.memory_space<vmem>>, vector<1x16xf32>,
    %swap3A_43 = vector.shape_cast %swap3A_42 : vector<1x16xf32> to vector<16xf32>
    %swap3A_44 = vector.shape_cast %get3A_38 : vector<16xf32> to vector<1x16xf32>
    tpu.vector_store %arg8[%swap3A_40, %swap3A_41], %swap3A_44 {strides = array<i32>} : memref<32x16xf32, #tpu.memory_space<vmem>>, vector<1x16xf32>,
    %get3A_45 = arith.constant 1 : i32
    %get3A_46 = arith.index_cast %get3A_45 : i32 to index
    %get3A_47 = arith.constant 0 : index
    %get3A_48 = tpu.vector_load %arg5[%get3A_46, %get3A_47] {strides = array<i32>} : memref<8x4096xf32, #tpu.memory_space<vmem>>, vector<1x16xf32>,
    %get3A_49 = vector.shape_cast %get3A_48 : vector<1x16xf32> to vector<16xf32>
    %swap3A_50 = arith.constant 1 : i32
    %swap3A_51 = arith.index_cast %swap3A_50 : i32 to index
    %swap3A_52 = arith.constant 0 : index
    %swap3A_53 = tpu.vector_load %arg8[%swap3A_51, %swap3A_52] {strides = array<i32>} : memref<32x16xf32, #tpu.memory_space<vmem>>, vector<1x16xf32>,
    %swap3A_54 = vector.shape_cast %swap3A_53 : vector<1x16xf32> to vector<16xf32>
    %swap3A_55 = vector.shape_cast %get3A_49 : vector<16xf32> to vector<1x16xf32>
    tpu.vector_store %arg8[%swap3A_51, %swap3A_52], %swap3A_55 {strides = array<i32>} : memref<32x16xf32, #tpu.memory_space<vmem>>, vector<1x16xf32>,
    %get3A_56 = arith.constant 2 : i32
    %get3A_57 = arith.index_cast %get3A_56 : i32 to index
    %get3A_58 = arith.constant 0 : index
    %get3A_59 = tpu.vector_load %arg5[%get3A_57, %get3A_58] {strides = array<i32>} : memref<8x4096xf32, #tpu.memory_space<vmem>>, vector<1x16xf32>,
    %get3A_60 = vector.shape_cast %get3A_59 : vector<1x16xf32> to vector<16xf32>
    %swap3A_61 = arith.constant 2 : i32
    %swap3A_62 = arith.index_cast %swap3A_61 : i32 to index
    %swap3A_63 = arith.constant 0 : index
    %swap3A_64 = tpu.vector_load %arg8[%swap3A_62, %swap3A_63] {strides = array<i32>} : memref<32x16xf32, #tpu.memory_space<vmem>>, vector<1x16xf32>,
    %swap3A_65 = vector.shape_cast %swap3A_64 : vector<1x16xf32> to vector<16xf32>
    %swap3A_66 = vector.shape_cast %get3A_60 : vector<16xf32> to vector<1x16xf32>
    tpu.vector_store %arg8[%swap3A_62, %swap3A_63], %swap3A_66 {strides = array<i32>} : memref<32x16xf32, #tpu.memory_space<vmem>>, vector<1x16xf32>,
    %get3A_67 = arith.constant 3 : i32
    %get3A_68 = arith.index_cast %get3A_67 : i32 to index
    %get3A_69 = arith.constant 0 : index
    %get3A_70 = tpu.vector_load %arg5[%get3A_68, %get3A_69] {strides = array<i32>} : memref<8x4096xf32, #tpu.memory_space<vmem>>, vector<1x16xf32>,
    %get3A_71 = vector.shape_cast %get3A_70 : vector<1x16xf32> to vector<16xf32>
    %swap3A_72 = arith.constant 3 : i32
    %swap3A_73 = arith.index_cast %swap3A_72 : i32 to index
    %swap3A_74 = arith.constant 0 : index
    %swap3A_75 = tpu.vector_load %arg8[%swap3A_73, %swap3A_74] {strides = array<i32>} : memref<32x16xf32, #tpu.memory_space<vmem>>, vector<1x16xf32>,
    %swap3A_76 = vector.shape_cast %swap3A_75 : vector<1x16xf32> to vector<16xf32>
    %swap3A_77 = vector.shape_cast %get3A_71 : vector<16xf32> to vector<1x16xf32>
    tpu.vector_store %arg8[%swap3A_73, %swap3A_74], %swap3A_77 {strides = array<i32>} : memref<32x16xf32, #tpu.memory_space<vmem>>, vector<1x16xf32>,
    %get3A_78 = arith.constant 4 : i32
    %get3A_79 = arith.index_cast %get3A_78 : i32 to index
    %get3A_80 = arith.constant 0 : index
    %get3A_81 = tpu.vector_load %arg5[%get3A_79, %get3A_80] {strides = array<i32>} : memref<8x4096xf32, #tpu.memory_space<vmem>>, vector<1x16xf32>,
    %get3A_82 = vector.shape_cast %get3A_81 : vector<1x16xf32> to vector<16xf32>
    %swap3A_83 = arith.constant 4 : i32
    %swap3A_84 = arith.index_cast %swap3A_83 : i32 to index
    %swap3A_85 = arith.constant 0 : index
    %swap3A_86 = tpu.vector_load %arg8[%swap3A_84, %swap3A_85] {strides = array<i32>} : memref<32x16xf32, #tpu.memory_space<vmem>>, vector<1x16xf32>,
    %swap3A_87 = vector.shape_cast %swap3A_86 : vector<1x16xf32> to vector<16xf32>
    %swap3A_88 = vector.shape_cast %get3A_82 : vector<16xf32> to vector<1x16xf32>
    tpu.vector_store %arg8[%swap3A_84, %swap3A_85], %swap3A_88 {strides = array<i32>} : memref<32x16xf32, #tpu.memory_space<vmem>>, vector<1x16xf32>,
    %get3A_89 = arith.constant 5 : i32
    %get3A_90 = arith.index_cast %get3A_89 : i32 to index
    %get3A_91 = arith.constant 0 : index
    %get3A_92 = tpu.vector_load %arg5[%get3A_90, %get3A_91] {strides = array<i32>} : memref<8x4096xf32, #tpu.memory_space<vmem>>, vector<1x16xf32>,
    %get3A_93 = vector.shape_cast %get3A_92 : vector<1x16xf32> to vector<16xf32>
    %swap3A_94 = arith.constant 5 : i32
    %swap3A_95 = arith.index_cast %swap3A_94 : i32 to index
    %swap3A_96 = arith.constant 0 : index
    %swap3A_97 = tpu.vector_load %arg8[%swap3A_95, %swap3A_96] {strides = array<i32>} : memref<32x16xf32, #tpu.memory_space<vmem>>, vector<1x16xf32>,
    %swap3A_98 = vector.shape_cast %swap3A_97 : vector<1x16xf32> to vector<16xf32>
    %swap3A_99 = vector.shape_cast %get3A_93 : vector<16xf32> to vector<1x16xf32>
    tpu.vector_store %arg8[%swap3A_95, %swap3A_96], %swap3A_99 {strides = array<i32>} : memref<32x16xf32, #tpu.memory_space<vmem>>, vector<1x16xf32>,
    %get3A_100 = arith.constant 6 : i32
    %get3A_101 = arith.index_cast %get3A_100 : i32 to index
    %get3A_102 = arith.constant 0 : index
    %get3A_103 = tpu.vector_load %arg5[%get3A_101, %get3A_102] {strides = array<i32>} : memref<8x4096xf32, #tpu.memory_space<vmem>>, vector<1x16xf32>,
    %get3A_104 = vector.shape_cast %get3A_103 : vector<1x16xf32> to vector<16xf32>
    %swap3A_105 = arith.constant 6 : i32
    %swap3A_106 = arith.index_cast %swap3A_105 : i32 to index
    %swap3A_107 = arith.constant 0 : index
    %swap3A_108 = tpu.vector_load %arg8[%swap3A_106, %swap3A_107] {strides = array<i32>} : memref<32x16xf32, #tpu.memory_space<vmem>>, vector<1x16xf32>,
    %swap3A_109 = vector.shape_cast %swap3A_108 : vector<1x16xf32> to vector<16xf32>
    %swap3A_110 = vector.shape_cast %get3A_104 : vector<16xf32> to vector<1x16xf32>
    tpu.vector_store %arg8[%swap3A_106, %swap3A_107], %swap3A_110 {strides = array<i32>} : memref<32x16xf32, #tpu.memory_space<vmem>>, vector<1x16xf32>,
    %get3A_111 = arith.constant 7 : i32
    %get3A_112 = arith.index_cast %get3A_111 : i32 to index
    %get3A_113 = arith.constant 0 : index
    %get3A_114 = tpu.vector_load %arg5[%get3A_112, %get3A_113] {strides = array<i32>} : memref<8x4096xf32, #tpu.memory_space<vmem>>, vector<1x16xf32>,
    %get3A_115 = vector.shape_cast %get3A_114 : vector<1x16xf32> to vector<16xf32>
    %swap3A_116 = arith.constant 7 : i32
    %swap3A_117 = arith.index_cast %swap3A_116 : i32 to index
    %swap3A_118 = arith.constant 0 : index
    %swap3A_119 = tpu.vector_load %arg8[%swap3A_117, %swap3A_118] {strides = array<i32>} : memref<32x16xf32, #tpu.memory_space<vmem>>, vector<1x16xf32>,
    %swap3A_120 = vector.shape_cast %swap3A_119 : vector<1x16xf32> to vector<16xf32>
    %swap3A_121 = vector.shape_cast %get3A_115 : vector<16xf32> to vector<1x16xf32>
    tpu.vector_store %arg8[%swap3A_117, %swap3A_118], %swap3A_121 {strides = array<i32>} : memref<32x16xf32, #tpu.memory_space<vmem>>, vector<1x16xf32>,
    %add3A_122 = arith.constant 16 : i32
    %add3A_123 = arith.addi %add3A_4, %add3A_122 : i32
    %dma_start3A_124 = arith.constant 0 : i32
    %dma_start3A_125 = tpu.memref_slice %arg2[%add3A_123, %dma_start3A_124] : memref<4096x4096xf32, #tpu.memory_space<hbm>> -> memref<8x4096xf32, #tpu.memory_space<hbm>>
    %dma_start3A_126 = arith.constant 0 : i32
    %dma_start3A_127 = tpu.memref_slice %arg2[%add3A_123, %dma_start3A_126] : memref<4096x4096xf32, #tpu.memory_space<hbm>> -> memref<8x4096xf32, #tpu.memory_space<hbm>>
    tpu.enqueue_dma source(%dma_start3A_127 : memref<8x4096xf32, #tpu.memory_space<hbm>>) target(%arg5 : memref<8x4096xf32, #tpu.memory_space<vmem>>) target_semaphore(%arg9 : memref<!tpu.dma_semaphore, #tpu.memory_space<semaphore_mem>>)
    %dma_wait3A_128 = arith.constant 0 : i32
    %dma_wait3A_129 = tpu.memref_slice %arg2[%add3A_15, %dma_wait3A_128] : memref<4096x4096xf32, #tpu.memory_space<hbm>> -> memref<8x4096xf32, #tpu.memory_space<hbm>>
    %dma_wait3A_130 = arith.constant 0 : i32
    %dma_wait3A_131 = tpu.memref_slice %arg2[%add3A_15, %dma_wait3A_130] : memref<4096x4096xf32, #tpu.memory_space<hbm>> -> memref<8x4096xf32, #tpu.memory_space<hbm>>
    tpu.wait_dma2 semaphore(%arg10 : memref<!tpu.dma_semaphore, #tpu.memory_space<semaphore_mem>>) src(%dma_wait3A_131 : memref<8x4096xf32, #tpu.memory_space<hbm>>) dst(%arg6 : memref<8x4096xf32, #tpu.memory_space<vmem>>)
    %get3A_132 = arith.constant 0 : index
    %get3A_133 = tpu.vector_load %arg7[%get3A_132] {strides = array<i32>} : memref<4096xf32, #tpu.memory_space<vmem>>, vector<16xf32>,
    %get3A_134 = vector.shape_cast %get3A_133 : vector<16xf32> to vector<16xf32>
    %get3A_135 = arith.constant 0 : i32
    %get3A_136 = arith.index_cast %get3A_135 : i32 to index
    %get3A_137 = arith.constant 0 : index
    %get3A_138 = tpu.vector_load %arg6[%get3A_136, %get3A_137] {strides = array<i32>} : memref<8x4096xf32, #tpu.memory_space<vmem>>, vector<1x16xf32>,
    %get3A_139 = vector.shape_cast %get3A_138 : vector<1x16xf32> to vector<16xf32>
    %add3A_140 = arith.addf %get3A_134, %get3A_139 : vector<16xf32>
    %swap3A_141 = arith.constant 0 : index
    %swap3A_142 = tpu.vector_load %arg7[%swap3A_141] {strides = array<i32>} : memref<4096xf32, #tpu.memory_space<vmem>>, vector<16xf32>,
    %swap3A_143 = vector.shape_cast %swap3A_142 : vector<16xf32> to vector<16xf32>
    %swap3A_144 = vector.shape_cast %add3A_140 : vector<16xf32> to vector<16xf32>
    tpu.vector_store %arg7[%swap3A_141], %swap3A_144 {strides = array<i32>} : memref<4096xf32, #tpu.memory_space<vmem>>, vector<16xf32>,
    %get3A_145 = arith.constant 0 : i32
    %get3A_146 = arith.index_cast %get3A_145 : i32 to index
    %get3A_147 = arith.constant 0 : index
    %get3A_148 = tpu.vector_load %arg6[%get3A_146, %get3A_147] {strides = array<i32>} : memref<8x4096xf32, #tpu.memory_space<vmem>>, vector<1x16xf32>,
    %get3A_149 = vector.shape_cast %get3A_148 : vector<1x16xf32> to vector<16xf32>
    %swap3A_150 = arith.constant 8 : i32
    %swap3A_151 = arith.index_cast %swap3A_150 : i32 to index
    %swap3A_152 = arith.constant 0 : index
    %swap3A_153 = tpu.vector_load %arg8[%swap3A_151, %swap3A_152] {strides = array<i32>} : memref<32x16xf32, #tpu.memory_space<vmem>>, vector<1x16xf32>,
    %swap3A_154 = vector.shape_cast %swap3A_153 : vector<1x16xf32> to vector<16xf32>
    %swap3A_155 = vector.shape_cast %get3A_149 : vector<16xf32> to vector<1x16xf32>
    tpu.vector_store %arg8[%swap3A_151, %swap3A_152], %swap3A_155 {strides = array<i32>} : memref<32x16xf32, #tpu.memory_space<vmem>>, vector<1x16xf32>,
    %get3A_156 = arith.constant 1 : i32
    %get3A_157 = arith.index_cast %get3A_156 : i32 to index
    %get3A_158 = arith.constant 0 : index
    %get3A_159 = tpu.vector_load %arg6[%get3A_157, %get3A_158] {strides = array<i32>} : memref<8x4096xf32, #tpu.memory_space<vmem>>, vector<1x16xf32>,
    %get3A_160 = vector.shape_cast %get3A_159 : vector<1x16xf32> to vector<16xf32>
    %swap3A_161 = arith.constant 9 : i32
    %swap3A_162 = arith.index_cast %swap3A_161 : i32 to index
    %swap3A_163 = arith.constant 0 : index
    %swap3A_164 = tpu.vector_load %arg8[%swap3A_162, %swap3A_163] {strides = array<i32>} : memref<32x16xf32, #tpu.memory_space<vmem>>, vector<1x16xf32>,
    %swap3A_165 = vector.shape_cast %swap3A_164 : vector<1x16xf32> to vector<16xf32>
    %swap3A_166 = vector.shape_cast %get3A_160 : vector<16xf32> to vector<1x16xf32>
    tpu.vector_store %arg8[%swap3A_162, %swap3A_163], %swap3A_166 {strides = array<i32>} : memref<32x16xf32, #tpu.memory_space<vmem>>, vector<1x16xf32>,
    %get3A_167 = arith.constant 2 : i32
    %get3A_168 = arith.index_cast %get3A_167 : i32 to index
    %get3A_169 = arith.constant 0 : index
    %get3A_170 = tpu.vector_load %arg6[%get3A_168, %get3A_169] {strides = array<i32>} : memref<8x4096xf32, #tpu.memory_space<vmem>>, vector<1x16xf32>,
    %get3A_171 = vector.shape_cast %get3A_170 : vector<1x16xf32> to vector<16xf32>
    %swap3A_172 = arith.constant 10 : i32
    %swap3A_173 = arith.index_cast %swap3A_172 : i32 to index
    %swap3A_174 = arith.constant 0 : index
    %swap3A_175 = tpu.vector_load %arg8[%swap3A_173, %swap3A_174] {strides = array<i32>} : memref<32x16xf32, #tpu.memory_space<vmem>>, vector<1x16xf32>,
    %swap3A_176 = vector.shape_cast %swap3A_175 : vector<1x16xf32> to vector<16xf32>
    %swap3A_177 = vector.shape_cast %get3A_171 : vector<16xf32> to vector<1x16xf32>
    tpu.vector_store %arg8[%swap3A_173, %swap3A_174], %swap3A_177 {strides = array<i32>} : memref<32x16xf32, #tpu.memory_space<vmem>>, vector<1x16xf32>,
    %get3A_178 = arith.constant 3 : i32
    %get3A_179 = arith.index_cast %get3A_178 : i32 to index
    %get3A_180 = arith.constant 0 : index
    %get3A_181 = tpu.vector_load %arg6[%get3A_179, %get3A_180] {strides = array<i32>} : memref<8x4096xf32, #tpu.memory_space<vmem>>, vector<1x16xf32>,
    %get3A_182 = vector.shape_cast %get3A_181 : vector<1x16xf32> to vector<16xf32>
    %swap3A_183 = arith.constant 11 : i32
    %swap3A_184 = arith.index_cast %swap3A_183 : i32 to index
    %swap3A_185 = arith.constant 0 : index
    %swap3A_186 = tpu.vector_load %arg8[%swap3A_184, %swap3A_185] {strides = array<i32>} : memref<32x16xf32, #tpu.memory_space<vmem>>, vector<1x16xf32>,
    %swap3A_187 = vector.shape_cast %swap3A_186 : vector<1x16xf32> to vector<16xf32>
    %swap3A_188 = vector.shape_cast %get3A_182 : vector<16xf32> to vector<1x16xf32>
    tpu.vector_store %arg8[%swap3A_184, %swap3A_185], %swap3A_188 {strides = array<i32>} : memref<32x16xf32, #tpu.memory_space<vmem>>, vector<1x16xf32>,
    %get3A_189 = arith.constant 4 : i32
    %get3A_190 = arith.index_cast %get3A_189 : i32 to index
    %get3A_191 = arith.constant 0 : index
    %get3A_192 = tpu.vector_load %arg6[%get3A_190, %get3A_191] {strides = array<i32>} : memref<8x4096xf32, #tpu.memory_space<vmem>>, vector<1x16xf32>,
    %get3A_193 = vector.shape_cast %get3A_192 : vector<1x16xf32> to vector<16xf32>
    %swap3A_194 = arith.constant 12 : i32
    %swap3A_195 = arith.index_cast %swap3A_194 : i32 to index
    %swap3A_196 = arith.constant 0 : index
    %swap3A_197 = tpu.vector_load %arg8[%swap3A_195, %swap3A_196] {strides = array<i32>} : memref<32x16xf32, #tpu.memory_space<vmem>>, vector<1x16xf32>,
    %swap3A_198 = vector.shape_cast %swap3A_197 : vector<1x16xf32> to vector<16xf32>
    %swap3A_199 = vector.shape_cast %get3A_193 : vector<16xf32> to vector<1x16xf32>
    tpu.vector_store %arg8[%swap3A_195, %swap3A_196], %swap3A_199 {strides = array<i32>} : memref<32x16xf32, #tpu.memory_space<vmem>>, vector<1x16xf32>,
    %get3A_200 = arith.constant 5 : i32
    %get3A_201 = arith.index_cast %get3A_200 : i32 to index
    %get3A_202 = arith.constant 0 : index
    %get3A_203 = tpu.vector_load %arg6[%get3A_201, %get3A_202] {strides = array<i32>} : memref<8x4096xf32, #tpu.memory_space<vmem>>, vector<1x16xf32>,
    %get3A_204 = vector.shape_cast %get3A_203 : vector<1x16xf32> to vector<16xf32>
    %swap3A_205 = arith.constant 13 : i32
    %swap3A_206 = arith.index_cast %swap3A_205 : i32 to index
    %swap3A_207 = arith.constant 0 : index
    %swap3A_208 = tpu.vector_load %arg8[%swap3A_206, %swap3A_207] {strides = array<i32>} : memref<32x16xf32, #tpu.memory_space<vmem>>, vector<1x16xf32>,
    %swap3A_209 = vector.shape_cast %swap3A_208 : vector<1x16xf32> to vector<16xf32>
    %swap3A_210 = vector.shape_cast %get3A_204 : vector<16xf32> to vector<1x16xf32>
    tpu.vector_store %arg8[%swap3A_206, %swap3A_207], %swap3A_210 {strides = array<i32>} : memref<32x16xf32, #tpu.memory_space<vmem>>, vector<1x16xf32>,
    %get3A_211 = arith.constant 6 : i32
    %get3A_212 = arith.index_cast %get3A_211 : i32 to index
    %get3A_213 = arith.constant 0 : index
    %get3A_214 = tpu.vector_load %arg6[%get3A_212, %get3A_213] {strides = array<i32>} : memref<8x4096xf32, #tpu.memory_space<vmem>>, vector<1x16xf32>,
    %get3A_215 = vector.shape_cast %get3A_214 : vector<1x16xf32> to vector<16xf32>
    %swap3A_216 = arith.constant 14 : i32
    %swap3A_217 = arith.index_cast %swap3A_216 : i32 to index
    %swap3A_218 = arith.constant 0 : index
    %swap3A_219 = tpu.vector_load %arg8[%swap3A_217, %swap3A_218] {strides = array<i32>} : memref<32x16xf32, #tpu.memory_space<vmem>>, vector<1x16xf32>,
    %swap3A_220 = vector.shape_cast %swap3A_219 : vector<1x16xf32> to vector<16xf32>
    %swap3A_221 = vector.shape_cast %get3A_215 : vector<16xf32> to vector<1x16xf32>
    tpu.vector_store %arg8[%swap3A_217, %swap3A_218], %swap3A_221 {strides = array<i32>} : memref<32x16xf32, #tpu.memory_space<vmem>>, vector<1x16xf32>,
    %get3A_222 = arith.constant 7 : i32
    %get3A_223 = arith.index_cast %get3A_222 : i32 to index
    %get3A_224 = arith.constant 0 : index
    %get3A_225 = tpu.vector_load %arg6[%get3A_223, %get3A_224] {strides = array<i32>} : memref<8x4096xf32, #tpu.memory_space<vmem>>, vector<1x16xf32>,
    %get3A_226 = vector.shape_cast %get3A_225 : vector<1x16xf32> to vector<16xf32>
    %swap3A_227 = arith.constant 15 : i32
    %swap3A_228 = arith.index_cast %swap3A_227 : i32 to index
    %swap3A_229 = arith.constant 0 : index
    %swap3A_230 = tpu.vector_load %arg8[%swap3A_228, %swap3A_229] {strides = array<i32>} : memref<32x16xf32, #tpu.memory_space<vmem>>, vector<1x16xf32>,
    %swap3A_231 = vector.shape_cast %swap3A_230 : vector<1x16xf32> to vector<16xf32>
    %swap3A_232 = vector.shape_cast %get3A_226 : vector<16xf32> to vector<1x16xf32>
    tpu.vector_store %arg8[%swap3A_228, %swap3A_229], %swap3A_232 {strides = array<i32>} : memref<32x16xf32, #tpu.memory_space<vmem>>, vector<1x16xf32>,
    %add3A_233 = arith.constant 24 : i32
    %add3A_234 = arith.addi %add3A_4, %add3A_233 : i32
    %dma_start3A_235 = arith.constant 0 : i32
    %dma_start3A_236 = tpu.memref_slice %arg2[%add3A_234, %dma_start3A_235] : memref<4096x4096xf32, #tpu.memory_space<hbm>> -> memref<8x4096xf32, #tpu.memory_space<hbm>>
    %dma_start3A_237 = arith.constant 0 : i32
    %dma_start3A_238 = tpu.memref_slice %arg2[%add3A_234, %dma_start3A_237] : memref<4096x4096xf32, #tpu.memory_space<hbm>> -> memref<8x4096xf32, #tpu.memory_space<hbm>>
    tpu.enqueue_dma source(%dma_start3A_238 : memref<8x4096xf32, #tpu.memory_space<hbm>>) target(%arg6 : memref<8x4096xf32, #tpu.memory_space<vmem>>) target_semaphore(%arg10 : memref<!tpu.dma_semaphore, #tpu.memory_space<semaphore_mem>>)
    %dma_wait3A_239 = arith.constant 0 : i32
    %dma_wait3A_240 = tpu.memref_slice %arg2[%add3A_123, %dma_wait3A_239] : memref<4096x4096xf32, #tpu.memory_space<hbm>> -> memref<8x4096xf32, #tpu.memory_space<hbm>>
    %dma_wait3A_241 = arith.constant 0 : i32
    %dma_wait3A_242 = tpu.memref_slice %arg2[%add3A_123, %dma_wait3A_241] : memref<4096x4096xf32, #tpu.memory_space<hbm>> -> memref<8x4096xf32, #tpu.memory_space<hbm>>
    tpu.wait_dma2 semaphore(%arg9 : memref<!tpu.dma_semaphore, #tpu.memory_space<semaphore_mem>>) src(%dma_wait3A_242 : memref<8x4096xf32, #tpu.memory_space<hbm>>) dst(%arg5 : memref<8x4096xf32, #tpu.memory_space<vmem>>)
    %get3A_243 = arith.constant 0 : index
    %get3A_244 = tpu.vector_load %arg7[%get3A_243] {strides = array<i32>} : memref<4096xf32, #tpu.memory_space<vmem>>, vector<16xf32>,
    %get3A_245 = vector.shape_cast %get3A_244 : vector<16xf32> to vector<16xf32>
    %get3A_246 = arith.constant 0 : i32
    %get3A_247 = arith.index_cast %get3A_246 : i32 to index
    %get3A_248 = arith.constant 0 : index
    %get3A_249 = tpu.vector_load %arg5[%get3A_247, %get3A_248] {strides = array<i32>} : memref<8x4096xf32, #tpu.memory_space<vmem>>, vector<1x16xf32>,
    %get3A_250 = vector.shape_cast %get3A_249 : vector<1x16xf32> to vector<16xf32>
    %add3A_251 = arith.addf %get3A_245, %get3A_250 : vector<16xf32>
    %swap3A_252 = arith.constant 0 : index
    %swap3A_253 = tpu.vector_load %arg7[%swap3A_252] {strides = array<i32>} : memref<4096xf32, #tpu.memory_space<vmem>>, vector<16xf32>,
    %swap3A_254 = vector.shape_cast %swap3A_253 : vector<16xf32> to vector<16xf32>
    %swap3A_255 = vector.shape_cast %add3A_251 : vector<16xf32> to vector<16xf32>
    tpu.vector_store %arg7[%swap3A_252], %swap3A_255 {strides = array<i32>} : memref<4096xf32, #tpu.memory_space<vmem>>, vector<16xf32>,
    %get3A_256 = arith.constant 0 : i32
    %get3A_257 = arith.index_cast %get3A_256 : i32 to index
    %get3A_258 = arith.constant 0 : index
    %get3A_259 = tpu.vector_load %arg5[%get3A_257, %get3A_258] {strides = array<i32>} : memref<8x4096xf32, #tpu.memory_space<vmem>>, vector<1x16xf32>,
    %get3A_260 = vector.shape_cast %get3A_259 : vector<1x16xf32> to vector<16xf32>
    %swap3A_261 = arith.constant 16 : i32
    %swap3A_262 = arith.index_cast %swap3A_261 : i32 to index
    %swap3A_263 = arith.constant 0 : index
    %swap3A_264 = tpu.vector_load %arg8[%swap3A_262, %swap3A_263] {strides = array<i32>} : memref<32x16xf32, #tpu.memory_space<vmem>>, vector<1x16xf32>,
    %swap3A_265 = vector.shape_cast %swap3A_264 : vector<1x16xf32> to vector<16xf32>
    %swap3A_266 = vector.shape_cast %get3A_260 : vector<16xf32> to vector<1x16xf32>
    tpu.vector_store %arg8[%swap3A_262, %swap3A_263], %swap3A_266 {strides = array<i32>} : memref<32x16xf32, #tpu.memory_space<vmem>>, vector<1x16xf32>,
    %get3A_267 = arith.constant 1 : i32
    %get3A_268 = arith.index_cast %get3A_267 : i32 to index
    %get3A_269 = arith.constant 0 : index
    %get3A_270 = tpu.vector_load %arg5[%get3A_268, %get3A_269] {strides = array<i32>} : memref<8x4096xf32, #tpu.memory_space<vmem>>, vector<1x16xf32>,
    %get3A_271 = vector.shape_cast %get3A_270 : vector<1x16xf32> to vector<16xf32>
    %swap3A_272 = arith.constant 17 : i32
    %swap3A_273 = arith.index_cast %swap3A_272 : i32 to index
    %swap3A_274 = arith.constant 0 : index
    %swap3A_275 = tpu.vector_load %arg8[%swap3A_273, %swap3A_274] {strides = array<i32>} : memref<32x16xf32, #tpu.memory_space<vmem>>, vector<1x16xf32>,
    %swap3A_276 = vector.shape_cast %swap3A_275 : vector<1x16xf32> to vector<16xf32>
    %swap3A_277 = vector.shape_cast %get3A_271 : vector<16xf32> to vector<1x16xf32>
    tpu.vector_store %arg8[%swap3A_273, %swap3A_274], %swap3A_277 {strides = array<i32>} : memref<32x16xf32, #tpu.memory_space<vmem>>, vector<1x16xf32>,
    %get3A_278 = arith.constant 2 : i32
    %get3A_279 = arith.index_cast %get3A_278 : i32 to index
    %get3A_280 = arith.constant 0 : index
    %get3A_281 = tpu.vector_load %arg5[%get3A_279, %get3A_280] {strides = array<i32>} : memref<8x4096xf32, #tpu.memory_space<vmem>>, vector<1x16xf32>,
    %get3A_282 = vector.shape_cast %get3A_281 : vector<1x16xf32> to vector<16xf32>
    %swap3A_283 = arith.constant 18 : i32
    %swap3A_284 = arith.index_cast %swap3A_283 : i32 to index
    %swap3A_285 = arith.constant 0 : index
    %swap3A_286 = tpu.vector_load %arg8[%swap3A_284, %swap3A_285] {strides = array<i32>} : memref<32x16xf32, #tpu.memory_space<vmem>>, vector<1x16xf32>,
    %swap3A_287 = vector.shape_cast %swap3A_286 : vector<1x16xf32> to vector<16xf32>
    %swap3A_288 = vector.shape_cast %get3A_282 : vector<16xf32> to vector<1x16xf32>
    tpu.vector_store %arg8[%swap3A_284, %swap3A_285], %swap3A_288 {strides = array<i32>} : memref<32x16xf32, #tpu.memory_space<vmem>>, vector<1x16xf32>,
    %get3A_289 = arith.constant 3 : i32
    %get3A_290 = arith.index_cast %get3A_289 : i32 to index
    %get3A_291 = arith.constant 0 : index
    %get3A_292 = tpu.vector_load %arg5[%get3A_290, %get3A_291] {strides = array<i32>} : memref<8x4096xf32, #tpu.memory_space<vmem>>, vector<1x16xf32>,
    %get3A_293 = vector.shape_cast %get3A_292 : vector<1x16xf32> to vector<16xf32>
    %swap3A_294 = arith.constant 19 : i32
    %swap3A_295 = arith.index_cast %swap3A_294 : i32 to index
    %swap3A_296 = arith.constant 0 : index
    %swap3A_297 = tpu.vector_load %arg8[%swap3A_295, %swap3A_296] {strides = array<i32>} : memref<32x16xf32, #tpu.memory_space<vmem>>, vector<1x16xf32>,
    %swap3A_298 = vector.shape_cast %swap3A_297 : vector<1x16xf32> to vector<16xf32>
    %swap3A_299 = vector.shape_cast %get3A_293 : vector<16xf32> to vector<1x16xf32>
    tpu.vector_store %arg8[%swap3A_295, %swap3A_296], %swap3A_299 {strides = array<i32>} : memref<32x16xf32, #tpu.memory_space<vmem>>, vector<1x16xf32>,
    %get3A_300 = arith.constant 4 : i32
    %get3A_301 = arith.index_cast %get3A_300 : i32 to index
    %get3A_302 = arith.constant 0 : index
    %get3A_303 = tpu.vector_load %arg5[%get3A_301, %get3A_302] {strides = array<i32>} : memref<8x4096xf32, #tpu.memory_space<vmem>>, vector<1x16xf32>,
    %get3A_304 = vector.shape_cast %get3A_303 : vector<1x16xf32> to vector<16xf32>
    %swap3A_305 = arith.constant 20 : i32
    %swap3A_306 = arith.index_cast %swap3A_305 : i32 to index
    %swap3A_307 = arith.constant 0 : index
    %swap3A_308 = tpu.vector_load %arg8[%swap3A_306, %swap3A_307] {strides = array<i32>} : memref<32x16xf32, #tpu.memory_space<vmem>>, vector<1x16xf32>,
    %swap3A_309 = vector.shape_cast %swap3A_308 : vector<1x16xf32> to vector<16xf32>
    %swap3A_310 = vector.shape_cast %get3A_304 : vector<16xf32> to vector<1x16xf32>
    tpu.vector_store %arg8[%swap3A_306, %swap3A_307], %swap3A_310 {strides = array<i32>} : memref<32x16xf32, #tpu.memory_space<vmem>>, vector<1x16xf32>,
    %get3A_311 = arith.constant 5 : i32
    %get3A_312 = arith.index_cast %get3A_311 : i32 to index
    %get3A_313 = arith.constant 0 : index
    %get3A_314 = tpu.vector_load %arg5[%get3A_312, %get3A_313] {strides = array<i32>} : memref<8x4096xf32, #tpu.memory_space<vmem>>, vector<1x16xf32>,
    %get3A_315 = vector.shape_cast %get3A_314 : vector<1x16xf32> to vector<16xf32>
    %swap3A_316 = arith.constant 21 : i32
    %swap3A_317 = arith.index_cast %swap3A_316 : i32 to index
    %swap3A_318 = arith.constant 0 : index
    %swap3A_319 = tpu.vector_load %arg8[%swap3A_317, %swap3A_318] {strides = array<i32>} : memref<32x16xf32, #tpu.memory_space<vmem>>, vector<1x16xf32>,
    %swap3A_320 = vector.shape_cast %swap3A_319 : vector<1x16xf32> to vector<16xf32>
    %swap3A_321 = vector.shape_cast %get3A_315 : vector<16xf32> to vector<1x16xf32>
    tpu.vector_store %arg8[%swap3A_317, %swap3A_318], %swap3A_321 {strides = array<i32>} : memref<32x16xf32, #tpu.memory_space<vmem>>, vector<1x16xf32>,
    %get3A_322 = arith.constant 6 : i32
    %get3A_323 = arith.index_cast %get3A_322 : i32 to index
    %get3A_324 = arith.constant 0 : index
    %get3A_325 = tpu.vector_load %arg5[%get3A_323, %get3A_324] {strides = array<i32>} : memref<8x4096xf32, #tpu.memory_space<vmem>>, vector<1x16xf32>,
    %get3A_326 = vector.shape_cast %get3A_325 : vector<1x16xf32> to vector<16xf32>
    %swap3A_327 = arith.constant 22 : i32
    %swap3A_328 = arith.index_cast %swap3A_327 : i32 to index
    %swap3A_329 = arith.constant 0 : index
    %swap3A_330 = tpu.vector_load %arg8[%swap3A_328, %swap3A_329] {strides = array<i32>} : memref<32x16xf32, #tpu.memory_space<vmem>>, vector<1x16xf32>,
    %swap3A_331 = vector.shape_cast %swap3A_330 : vector<1x16xf32> to vector<16xf32>
    %swap3A_332 = vector.shape_cast %get3A_326 : vector<16xf32> to vector<1x16xf32>
    tpu.vector_store %arg8[%swap3A_328, %swap3A_329], %swap3A_332 {strides = array<i32>} : memref<32x16xf32, #tpu.memory_space<vmem>>, vector<1x16xf32>,
    %get3A_333 = arith.constant 7 : i32
    %get3A_334 = arith.index_cast %get3A_333 : i32 to index
    %get3A_335 = arith.constant 0 : index
    %get3A_336 = tpu.vector_load %arg5[%get3A_334, %get3A_335] {strides = array<i32>} : memref<8x4096xf32, #tpu.memory_space<vmem>>, vector<1x16xf32>,
    %get3A_337 = vector.shape_cast %get3A_336 : vector<1x16xf32> to vector<16xf32>
    %swap3A_338 = arith.constant 23 : i32
    %swap3A_339 = arith.index_cast %swap3A_338 : i32 to index
    %swap3A_340 = arith.constant 0 : index
    %swap3A_341 = tpu.vector_load %arg8[%swap3A_339, %swap3A_340] {strides = array<i32>} : memref<32x16xf32, #tpu.memory_space<vmem>>, vector<1x16xf32>,
    %swap3A_342 = vector.shape_cast %swap3A_341 : vector<1x16xf32> to vector<16xf32>
    %swap3A_343 = vector.shape_cast %get3A_337 : vector<16xf32> to vector<1x16xf32>
    tpu.vector_store %arg8[%swap3A_339, %swap3A_340], %swap3A_343 {strides = array<i32>} : memref<32x16xf32, #tpu.memory_space<vmem>>, vector<1x16xf32>,
    %dma_wait3A_344 = arith.constant 0 : i32
    %dma_wait3A_345 = tpu.memref_slice %arg2[%add3A_234, %dma_wait3A_344] : memref<4096x4096xf32, #tpu.memory_space<hbm>> -> memref<8x4096xf32, #tpu.memory_space<hbm>>
    %dma_wait3A_346 = arith.constant 0 : i32
    %dma_wait3A_347 = tpu.memref_slice %arg2[%add3A_234, %dma_wait3A_346] : memref<4096x4096xf32, #tpu.memory_space<hbm>> -> memref<8x4096xf32, #tpu.memory_space<hbm>>
    tpu.wait_dma2 semaphore(%arg10 : memref<!tpu.dma_semaphore, #tpu.memory_space<semaphore_mem>>) src(%dma_wait3A_347 : memref<8x4096xf32, #tpu.memory_space<hbm>>) dst(%arg6 : memref<8x4096xf32, #tpu.memory_space<vmem>>)
    %get3A_348 = arith.constant 0 : index
    %get3A_349 = tpu.vector_load %arg7[%get3A_348] {strides = array<i32>} : memref<4096xf32, #tpu.memory_space<vmem>>, vector<16xf32>,
    %get3A_350 = vector.shape_cast %get3A_349 : vector<16xf32> to vector<16xf32>
    %get3A_351 = arith.constant 0 : i32
    %get3A_352 = arith.index_cast %get3A_351 : i32 to index
    %get3A_353 = arith.constant 0 : index
    %get3A_354 = tpu.vector_load %arg6[%get3A_352, %get3A_353] {strides = array<i32>} : memref<8x4096xf32, #tpu.memory_space<vmem>>, vector<1x16xf32>,
    %get3A_355 = vector.shape_cast %get3A_354 : vector<1x16xf32> to vector<16xf32>
    %add3A_356 = arith.addf %get3A_350, %get3A_355 : vector<16xf32>
    %swap3A_357 = arith.constant 0 : index
    %swap3A_358 = tpu.vector_load %arg7[%swap3A_357] {strides = array<i32>} : memref<4096xf32, #tpu.memory_space<vmem>>, vector<16xf32>,
    %swap3A_359 = vector.shape_cast %swap3A_358 : vector<16xf32> to vector<16xf32>
    %swap3A_360 = vector.shape_cast %add3A_356 : vector<16xf32> to vector<16xf32>
    tpu.vector_store %arg7[%swap3A_357], %swap3A_360 {strides = array<i32>} : memref<4096xf32, #tpu.memory_space<vmem>>, vector<16xf32>,
    %get3A_361 = arith.constant 0 : i32
    %get3A_362 = arith.index_cast %get3A_361 : i32 to index
    %get3A_363 = arith.constant 0 : index
    %get3A_364 = tpu.vector_load %arg6[%get3A_362, %get3A_363] {strides = array<i32>} : memref<8x4096xf32, #tpu.memory_space<vmem>>, vector<1x16xf32>,
    %get3A_365 = vector.shape_cast %get3A_364 : vector<1x16xf32> to vector<16xf32>
    %swap3A_366 = arith.constant 24 : i32
    %swap3A_367 = arith.index_cast %swap3A_366 : i32 to index
    %swap3A_368 = arith.constant 0 : index
    %swap3A_369 = tpu.vector_load %arg8[%swap3A_367, %swap3A_368] {strides = array<i32>} : memref<32x16xf32, #tpu.memory_space<vmem>>, vector<1x16xf32>,
    %swap3A_370 = vector.shape_cast %swap3A_369 : vector<1x16xf32> to vector<16xf32>
    %swap3A_371 = vector.shape_cast %get3A_365 : vector<16xf32> to vector<1x16xf32>
    tpu.vector_store %arg8[%swap3A_367, %swap3A_368], %swap3A_371 {strides = array<i32>} : memref<32x16xf32, #tpu.memory_space<vmem>>, vector<1x16xf32>,
    %get3A_372 = arith.constant 1 : i32
    %get3A_373 = arith.index_cast %get3A_372 : i32 to index
    %get3A_374 = arith.constant 0 : index
    %get3A_375 = tpu.vector_load %arg6[%get3A_373, %get3A_374] {strides = array<i32>} : memref<8x4096xf32, #tpu.memory_space<vmem>>, vector<1x16xf32>,
    %get3A_376 = vector.shape_cast %get3A_375 : vector<1x16xf32> to vector<16xf32>
    %swap3A_377 = arith.constant 25 : i32
    %swap3A_378 = arith.index_cast %swap3A_377 : i32 to index
    %swap3A_379 = arith.constant 0 : index
    %swap3A_380 = tpu.vector_load %arg8[%swap3A_378, %swap3A_379] {strides = array<i32>} : memref<32x16xf32, #tpu.memory_space<vmem>>, vector<1x16xf32>,
    %swap3A_381 = vector.shape_cast %swap3A_380 : vector<1x16xf32> to vector<16xf32>
    %swap3A_382 = vector.shape_cast %get3A_376 : vector<16xf32> to vector<1x16xf32>
    tpu.vector_store %arg8[%swap3A_378, %swap3A_379], %swap3A_382 {strides = array<i32>} : memref<32x16xf32, #tpu.memory_space<vmem>>, vector<1x16xf32>,
    %get3A_383 = arith.constant 2 : i32
    %get3A_384 = arith.index_cast %get3A_383 : i32 to index
    %get3A_385 = arith.constant 0 : index
    %get3A_386 = tpu.vector_load %arg6[%get3A_384, %get3A_385] {strides = array<i32>} : memref<8x4096xf32, #tpu.memory_space<vmem>>, vector<1x16xf32>,
    %get3A_387 = vector.shape_cast %get3A_386 : vector<1x16xf32> to vector<16xf32>
    %swap3A_388 = arith.constant 26 : i32
    %swap3A_389 = arith.index_cast %swap3A_388 : i32 to index
    %swap3A_390 = arith.constant 0 : index
    %swap3A_391 = tpu.vector_load %arg8[%swap3A_389, %swap3A_390] {strides = array<i32>} : memref<32x16xf32, #tpu.memory_space<vmem>>, vector<1x16xf32>,
    %swap3A_392 = vector.shape_cast %swap3A_391 : vector<1x16xf32> to vector<16xf32>
    %swap3A_393 = vector.shape_cast %get3A_387 : vector<16xf32> to vector<1x16xf32>
    tpu.vector_store %arg8[%swap3A_389, %swap3A_390], %swap3A_393 {strides = array<i32>} : memref<32x16xf32, #tpu.memory_space<vmem>>, vector<1x16xf32>,
    %get3A_394 = arith.constant 3 : i32
    %get3A_395 = arith.index_cast %get3A_394 : i32 to index
    %get3A_396 = arith.constant 0 : index
    %get3A_397 = tpu.vector_load %arg6[%get3A_395, %get3A_396] {strides = array<i32>} : memref<8x4096xf32, #tpu.memory_space<vmem>>, vector<1x16xf32>,
    %get3A_398 = vector.shape_cast %get3A_397 : vector<1x16xf32> to vector<16xf32>
    %swap3A_399 = arith.constant 27 : i32
    %swap3A_400 = arith.index_cast %swap3A_399 : i32 to index
    %swap3A_401 = arith.constant 0 : index
    %swap3A_402 = tpu.vector_load %arg8[%swap3A_400, %swap3A_401] {strides = array<i32>} : memref<32x16xf32, #tpu.memory_space<vmem>>, vector<1x16xf32>,
    %swap3A_403 = vector.shape_cast %swap3A_402 : vector<1x16xf32> to vector<16xf32>
    %swap3A_404 = vector.shape_cast %get3A_398 : vector<16xf32> to vector<1x16xf32>
    tpu.vector_store %arg8[%swap3A_400, %swap3A_401], %swap3A_404 {strides = array<i32>} : memref<32x16xf32, #tpu.memory_space<vmem>>, vector<1x16xf32>,
    %get3A_405 = arith.constant 4 : i32
    %get3A_406 = arith.index_cast %get3A_405 : i32 to index
    %get3A_407 = arith.constant 0 : index
    %get3A_408 = tpu.vector_load %arg6[%get3A_406, %get3A_407] {strides = array<i32>} : memref<8x4096xf32, #tpu.memory_space<vmem>>, vector<1x16xf32>,
    %get3A_409 = vector.shape_cast %get3A_408 : vector<1x16xf32> to vector<16xf32>
    %swap3A_410 = arith.constant 28 : i32
    %swap3A_411 = arith.index_cast %swap3A_410 : i32 to index
    %swap3A_412 = arith.constant 0 : index
    %swap3A_413 = tpu.vector_load %arg8[%swap3A_411, %swap3A_412] {strides = array<i32>} : memref<32x16xf32, #tpu.memory_space<vmem>>, vector<1x16xf32>,
    %swap3A_414 = vector.shape_cast %swap3A_413 : vector<1x16xf32> to vector<16xf32>
    %swap3A_415 = vector.shape_cast %get3A_409 : vector<16xf32> to vector<1x16xf32>
    tpu.vector_store %arg8[%swap3A_411, %swap3A_412], %swap3A_415 {strides = array<i32>} : memref<32x16xf32, #tpu.memory_space<vmem>>, vector<1x16xf32>,
    %get3A_416 = arith.constant 5 : i32
    %get3A_417 = arith.index_cast %get3A_416 : i32 to index
    %get3A_418 = arith.constant 0 : index
    %get3A_419 = tpu.vector_load %arg6[%get3A_417, %get3A_418] {strides = array<i32>} : memref<8x4096xf32, #tpu.memory_space<vmem>>, vector<1x16xf32>,
    %get3A_420 = vector.shape_cast %get3A_419 : vector<1x16xf32> to vector<16xf32>
    %swap3A_421 = arith.constant 29 : i32
    %swap3A_422 = arith.index_cast %swap3A_421 : i32 to index
    %swap3A_423 = arith.constant 0 : index
    %swap3A_424 = tpu.vector_load %arg8[%swap3A_422, %swap3A_423] {strides = array<i32>} : memref<32x16xf32, #tpu.memory_space<vmem>>, vector<1x16xf32>,
    %swap3A_425 = vector.shape_cast %swap3A_424 : vector<1x16xf32> to vector<16xf32>
    %swap3A_426 = vector.shape_cast %get3A_420 : vector<16xf32> to vector<1x16xf32>
    tpu.vector_store %arg8[%swap3A_422, %swap3A_423], %swap3A_426 {strides = array<i32>} : memref<32x16xf32, #tpu.memory_space<vmem>>, vector<1x16xf32>,
    %get3A_427 = arith.constant 6 : i32
    %get3A_428 = arith.index_cast %get3A_427 : i32 to index
    %get3A_429 = arith.constant 0 : index
    %get3A_430 = tpu.vector_load %arg6[%get3A_428, %get3A_429] {strides = array<i32>} : memref<8x4096xf32, #tpu.memory_space<vmem>>, vector<1x16xf32>,
    %get3A_431 = vector.shape_cast %get3A_430 : vector<1x16xf32> to vector<16xf32>
    %swap3A_432 = arith.constant 30 : i32
    %swap3A_433 = arith.index_cast %swap3A_432 : i32 to index
    %swap3A_434 = arith.constant 0 : index
    %swap3A_435 = tpu.vector_load %arg8[%swap3A_433, %swap3A_434] {strides = array<i32>} : memref<32x16xf32, #tpu.memory_space<vmem>>, vector<1x16xf32>,
    %swap3A_436 = vector.shape_cast %swap3A_435 : vector<1x16xf32> to vector<16xf32>
    %swap3A_437 = vector.shape_cast %get3A_431 : vector<16xf32> to vector<1x16xf32>
    tpu.vector_store %arg8[%swap3A_433, %swap3A_434], %swap3A_437 {strides = array<i32>} : memref<32x16xf32, #tpu.memory_space<vmem>>, vector<1x16xf32>,
    %get3A_438 = arith.constant 7 : i32
    %get3A_439 = arith.index_cast %get3A_438 : i32 to index
    %get3A_440 = arith.constant 0 : index
    %get3A_441 = tpu.vector_load %arg6[%get3A_439, %get3A_440] {strides = array<i32>} : memref<8x4096xf32, #tpu.memory_space<vmem>>, vector<1x16xf32>,
    %get3A_442 = vector.shape_cast %get3A_441 : vector<1x16xf32> to vector<16xf32>
    %swap3A_443 = arith.constant 31 : i32
    %swap3A_444 = arith.index_cast %swap3A_443 : i32 to index
    %swap3A_445 = arith.constant 0 : index
    %swap3A_446 = tpu.vector_load %arg8[%swap3A_444, %swap3A_445] {strides = array<i32>} : memref<32x16xf32, #tpu.memory_space<vmem>>, vector<1x16xf32>,
    %swap3A_447 = vector.shape_cast %swap3A_446 : vector<1x16xf32> to vector<16xf32>
    %swap3A_448 = vector.shape_cast %get3A_442 : vector<16xf32> to vector<1x16xf32>
    tpu.vector_store %arg8[%swap3A_444, %swap3A_445], %swap3A_448 {strides = array<i32>} : memref<32x16xf32, #tpu.memory_space<vmem>>, vector<1x16xf32>,
    "tpu.region"() ({
      %run_scoped3A = tpu.sem_alloc : memref<!tpu.dma_semaphore, #tpu.memory_space<semaphore_mem>>
      %dma_start3A_451 = arith.constant 0 : i32
      %dma_start3A_452 = tpu.memref_slice %arg3[%add3A, %dma_start3A_451] : memref<32x4096xf32, #tpu.memory_space<hbm>> -> memref<1x4096xf32, #tpu.memory_space<hbm>>
      %dma_start3A_453 = tpu.memref_squeeze %dma_start3A_452 : memref<1x4096xf32, #tpu.memory_space<hbm>> -> memref<4096xf32, #tpu.memory_space<hbm>>
      %dma_start3A_454 = arith.constant 0 : i32
      %dma_start3A_455 = tpu.memref_slice %arg3[%add3A, %dma_start3A_454] : memref<32x4096xf32, #tpu.memory_space<hbm>> -> memref<1x4096xf32, #tpu.memory_space<hbm>>
      %dma_start3A_456 = tpu.memref_squeeze %dma_start3A_455 : memref<1x4096xf32, #tpu.memory_space<hbm>> -> memref<4096xf32, #tpu.memory_space<hbm>>
      tpu.enqueue_dma source(%arg7 : memref<4096xf32, #tpu.memory_space<vmem>>) target(%dma_start3A_456 : memref<4096xf32, #tpu.memory_space<hbm>>) target_semaphore(%run_scoped3A : memref<!tpu.dma_semaphore, #tpu.memory_space<semaphore_mem>>)
      %dma_wait3A_457 = arith.constant 0 : i32
      %dma_wait3A_458 = tpu.memref_slice %arg3[%add3A, %dma_wait3A_457] : memref<32x4096xf32, #tpu.memory_space<hbm>> -> memref<1x4096xf32, #tpu.memory_space<hbm>>
      %dma_wait3A_459 = tpu.memref_squeeze %dma_wait3A_458 : memref<1x4096xf32, #tpu.memory_space<hbm>> -> memref<4096xf32, #tpu.memory_space<hbm>>
      %dma_wait3A_460 = arith.constant 0 : i32
      %dma_wait3A_461 = tpu.memref_slice %arg3[%add3A, %dma_wait3A_460] : memref<32x4096xf32, #tpu.memory_space<hbm>> -> memref<1x4096xf32, #tpu.memory_space<hbm>>
      %dma_wait3A_462 = tpu.memref_squeeze %dma_wait3A_461 : memref<1x4096xf32, #tpu.memory_space<hbm>> -> memref<4096xf32, #tpu.memory_space<hbm>>
      tpu.wait_dma2 semaphore(%run_scoped3A : memref<!tpu.dma_semaphore, #tpu.memory_space<semaphore_mem>>) src(%arg7 : memref<4096xf32, #tpu.memory_space<vmem>>) dst(%dma_wait3A_462 : memref<4096xf32, #tpu.memory_space<hbm>>)
      tpu.yield
    }) : () -> ()
    %mul3A_449 = arith.constant 32 : i32
    %mul3A_450 = arith.muli %add3A, %mul3A_449 : i32
    "tpu.region"() ({
      %run_scoped3A = tpu.sem_alloc : memref<!tpu.dma_semaphore, #tpu.memory_space<semaphore_mem>>
      %dma_start3A_451 = arith.constant 0 : i32
      %dma_start3A_452 = tpu.memref_slice %arg4[%mul3A_450, %dma_start3A_451] : memref<1024x16xf32, #tpu.memory_space<hbm>> -> memref<32x16xf32, #tpu.memory_space<hbm>>
      %dma_start3A_453 = arith.constant 0 : i32
      %dma_start3A_454 = tpu.memref_slice %arg4[%mul3A_450, %dma_start3A_453] : memref<1024x16xf32, #tpu.memory_space<hbm>> -> memref<32x16xf32, #tpu.memory_space<hbm>>
      tpu.enqueue_dma source(%arg8 : memref<32x16xf32, #tpu.memory_space<vmem>>) target(%dma_start3A_454 : memref<32x16xf32, #tpu.memory_space<hbm>>) target_semaphore(%run_scoped3A : memref<!tpu.dma_semaphore, #tpu.memory_space<semaphore_mem>>)
      %dma_wait3A_455 = arith.constant 0 : i32
      %dma_wait3A_456 = tpu.memref_slice %arg4[%mul3A_450, %dma_wait3A_455] : memref<1024x16xf32, #tpu.memory_space<hbm>> -> memref<32x16xf32, #tpu.memory_space<hbm>>
      %dma_wait3A_457 = arith.constant 0 : i32
      %dma_wait3A_458 = tpu.memref_slice %arg4[%mul3A_450, %dma_wait3A_457] : memref<1024x16xf32, #tpu.memory_space<hbm>> -> memref<32x16xf32, #tpu.memory_space<hbm>>
      tpu.wait_dma2 semaphore(%run_scoped3A : memref<!tpu.dma_semaphore, #tpu.memory_space<semaphore_mem>>) src(%arg8 : memref<32x16xf32, #tpu.memory_space<vmem>>) dst(%dma_wait3A_458 : memref<32x16xf32, #tpu.memory_space<hbm>>)
      tpu.yield
    }) : () -> ()
    return
  }
}

module attributes {stable_mosaic.version = 14 : i64} {
  func.func @_combine_body(%arg0: memref<1x4096xf32, #tpu.memory_space<vmem>>, %arg1: memref<1x1xf32, #tpu.memory_space<vmem>>, %arg2: memref<32x4096xf32, #tpu.memory_space<vmem>>, %arg3: memref<1024x16xf32, #tpu.memory_space<vmem>>, %arg4: memref<1x1xf32, #tpu.memory_space<vmem>>) attributes {dimension_semantics = [], scalar_prefetch = 0 : i64, scratch_operands = 0 : i64, tpu.core_type = #tpu.core_type<tc>} {
    %get3A = arith.constant 0 : index
    %get3A_0 = arith.constant 0 : index
    %get3A_1 = vector.load %arg0[%get3A, %get3A_0] : memref<1x4096xf32, #tpu.memory_space<vmem>>, vector<1x4096xf32>
    %get3A_2 = vector.shape_cast %get3A_1 : vector<1x4096xf32> to vector<4096xf32>
    %get3A_3 = arith.constant 0 : index
    %get3A_4 = arith.constant 0 : index
    %get3A_5 = vector.load %arg2[%get3A_3, %get3A_4] : memref<32x4096xf32, #tpu.memory_space<vmem>>, vector<32x4096xf32>
    %reduce_sum3A = arith.constant dense<0.000000e+00> : vector<4096xf32>
    %reduce_sum3A_6 = vector.multi_reduction <add>, %get3A_5, %reduce_sum3A [0] : vector<32x4096xf32> to vector<4096xf32>
    %add3A = arith.addf %get3A_2, %reduce_sum3A_6 : vector<4096xf32>
    %log3A = math.log %add3A : vector<4096xf32>
    %get3A_7 = arith.constant 0 : index
    %get3A_8 = arith.constant 0 : index
    %get3A_9 = vector.load %arg3[%get3A_7, %get3A_8] : memref<1024x16xf32, #tpu.memory_space<vmem>>, vector<1024x16xf32>
    %reduce_sum3A_10 = arith.constant dense<0.000000e+00> : vector<1024xf32>
    %reduce_sum3A_11 = vector.multi_reduction <add>, %get3A_9, %reduce_sum3A_10 [1] : vector<1024x16xf32> to vector<1024xf32>
    %log3A_12 = math.log %reduce_sum3A_11 : vector<1024xf32>
    %get3A_13 = arith.constant 0 : index
    %get3A_14 = arith.constant 0 : index
    %get3A_15 = vector.load %arg1[%get3A_13, %get3A_14] : memref<1x1xf32, #tpu.memory_space<vmem>>, vector<1x1xf32>
    %get3A_16 = vector.extract %get3A_15[0, 0] : f32 from vector<1x1xf32>
    %reduce_sum3A_17 = vector.shape_cast %log3A : vector<4096xf32> to vector<1x4096xf32>
    %reduce_sum3A_18 = arith.constant dense<0.000000e+00> : vector<1xf32>
    %reduce_sum3A_19 = vector.multi_reduction <add>, %reduce_sum3A_17, %reduce_sum3A_18 [1] : vector<1x4096xf32> to vector<1xf32>
    %reduce_sum3A_20 = vector.shape_cast %reduce_sum3A_19 : vector<1xf32> to vector<1x1xf32>
    %reduce_sum3A_21 = vector.extract %reduce_sum3A_20[0, 0] : f32 from vector<1x1xf32>
    %add3A_22 = arith.addf %get3A_16, %reduce_sum3A_21 : f32
    %reduce_sum3A_23 = vector.shape_cast %log3A_12 : vector<1024xf32> to vector<1x1024xf32>
    %reduce_sum3A_24 = arith.constant dense<0.000000e+00> : vector<1xf32>
    %reduce_sum3A_25 = vector.multi_reduction <add>, %reduce_sum3A_23, %reduce_sum3A_24 [1] : vector<1x1024xf32> to vector<1xf32>
    %reduce_sum3A_26 = vector.shape_cast %reduce_sum3A_25 : vector<1xf32> to vector<1x1xf32>
    %reduce_sum3A_27 = vector.extract %reduce_sum3A_26[0, 0] : f32 from vector<1x1xf32>
    %add3A_28 = arith.addf %add3A_22, %reduce_sum3A_27 : f32
    %div3A = arith.constant 4.096000e+03 : f32
    %div3A_29 = arith.divf %add3A_28, %div3A : f32
    %reshape3A = vector.broadcast %div3A_29 : f32 to vector<1x1xf32>
    %swap3A = arith.constant 0 : index
    %swap3A_30 = arith.constant 0 : index
    %swap3A_31 = vector.load %arg4[%swap3A, %swap3A_30] : memref<1x1xf32, #tpu.memory_space<vmem>>, vector<1x1xf32>
    tpu.vector_store %arg4[%swap3A, %swap3A_30], %reshape3A {strides = array<i32>} : memref<1x1xf32, #tpu.memory_space<vmem>>, vector<1x1xf32>,
    return
  }
}

module attributes {stable_mosaic.version = 14 : i64} {
  func.func @_tc_body(%arg0: i32, %arg1: memref<1x256xi32, #tpu.memory_space<vmem>>, %arg2: memref<1x256xi32, #tpu.memory_space<vmem>>, %arg3: memref<1x256xi32, #tpu.memory_space<vmem>>, %arg4: memref<1x256xi32, #tpu.memory_space<vmem>>, %arg5: memref<256x4096xf32, #tpu.memory_space<vmem>>, %arg6: memref<256x4096xf32, #tpu.memory_space<vmem>>, %arg7: memref<512x512xf32, #tpu.memory_space<vmem>>, %arg8: memref<1x512xi32, #tpu.memory_space<vmem>>, %arg9: memref<1x512xi32, #tpu.memory_space<vmem>>, %arg10: memref<1x4096xf32, #tpu.memory_space<vmem>>, %arg11: memref<1x1xf32, #tpu.memory_space<vmem>>, %arg12: memref<1x4096xf32, #tpu.memory_space<vmem>>, %arg13: memref<1x4096xf32, #tpu.memory_space<vmem>>) attributes {dimension_semantics = [#tpu.dimension_semantics<arbitrary>], iteration_bounds = array<i64: 6>, scalar_prefetch = 0 : i64, scratch_operands = 2 : i64, tpu.core_type = #tpu.core_type<tc>, window_params = [{transform_indices = @transform_0, window_bounds = array<i64: 1, 256>}, {transform_indices = @transform_1, window_bounds = array<i64: 1, 256>}, {transform_indices = @transform_2, window_bounds = array<i64: 1, 256>}, {transform_indices = @transform_3, window_bounds = array<i64: 1, 256>}, {transform_indices = @transform_4, window_bounds = array<i64: 256, 4096>}, {transform_indices = @transform_5, window_bounds = array<i64: 256, 4096>}, {transform_indices = @transform_6, window_bounds = array<i64: 512, 512>}, {transform_indices = @transform_7, window_bounds = array<i64: 1, 512>}, {transform_indices = @transform_8, window_bounds = array<i64: 1, 512>}, {pipeline_mode = #tpu.pipeline_mode<synchronous>, transform_indices = @transform_9, window_bounds = array<i64: 1, 4096>}, {pipeline_mode = #tpu.pipeline_mode<synchronous>, transform_indices = @transform_10, window_bounds = array<i64: 1, 1>}]} {
    %eq3A = arith.constant 0 : i32
    %eq3A_0 = arith.cmpi eq, %arg0, %eq3A : i32
    %convert_element_type3A = arith.extui %eq3A_0 : i1 to i32
    %cond3A = arith.constant 0 : i32
    %cond3A_1 = arith.cmpi ne, %convert_element_type3A, %cond3A : i32
    scf.if %cond3A_1 {
      %broadcast_in_dim3A_151 = arith.constant 0.000000e+00 : f32
      %broadcast_in_dim3A_152 = vector.broadcast %broadcast_in_dim3A_151 : f32 to vector<1x4096xf32>
      %swap3A_153 = arith.constant 0 : index
      %swap3A_154 = arith.constant 0 : index
      %swap3A_155 = vector.load %arg12[%swap3A_153, %swap3A_154] : memref<1x4096xf32, #tpu.memory_space<vmem>>, vector<1x4096xf32>
      tpu.vector_store %arg12[%swap3A_153, %swap3A_154], %broadcast_in_dim3A_152 {strides = array<i32>} : memref<1x4096xf32, #tpu.memory_space<vmem>>, vector<1x4096xf32>,
      %broadcast_in_dim3A_156 = arith.constant 0.000000e+00 : f32
      %broadcast_in_dim3A_157 = vector.broadcast %broadcast_in_dim3A_156 : f32 to vector<1x4096xf32>
      %swap3A_158 = arith.constant 0 : index
      %swap3A_159 = arith.constant 0 : index
      %swap3A_160 = vector.load %arg13[%swap3A_158, %swap3A_159] : memref<1x4096xf32, #tpu.memory_space<vmem>>, vector<1x4096xf32>
      tpu.vector_store %arg13[%swap3A_158, %swap3A_159], %broadcast_in_dim3A_157 {strides = array<i32>} : memref<1x4096xf32, #tpu.memory_space<vmem>>, vector<1x4096xf32>,
      %broadcast_in_dim3A_161 = arith.constant 0.000000e+00 : f32
      %broadcast_in_dim3A_162 = vector.broadcast %broadcast_in_dim3A_161 : f32 to vector<1x1xf32>
      %swap3A_163 = arith.constant 0 : index
      %swap3A_164 = arith.constant 0 : index
      %swap3A_165 = vector.load %arg11[%swap3A_163, %swap3A_164] : memref<1x1xf32, #tpu.memory_space<vmem>>, vector<1x1xf32>
      tpu.vector_store %arg11[%swap3A_163, %swap3A_164], %broadcast_in_dim3A_162 {strides = array<i32>} : memref<1x1xf32, #tpu.memory_space<vmem>>, vector<1x1xf32>,
    } else {
    }
    %get3A = arith.constant 0 : index
    %get3A_2 = arith.constant 0 : index
    %get3A_3 = vector.load %arg5[%get3A, %get3A_2] : memref<256x4096xf32, #tpu.memory_space<vmem>>, vector<256x4096xf32>
    %add3A = arith.constant 0 : i32
    %add3A_4 = arith.addi %add3A, %arg0 : i32
    %exp3A = math.exp %get3A_3 : vector<256x4096xf32>
    %reduce_sum3A = arith.constant dense<0.000000e+00> : vector<256xf32>
    %reduce_sum3A_5 = vector.multi_reduction <add>, %exp3A, %reduce_sum3A [1] : vector<256x4096xf32> to vector<256xf32>
    %log3A = math.log %reduce_sum3A_5 : vector<256xf32>
    %get3A_6 = arith.constant 0 : index
    %get3A_7 = arith.constant 0 : index
    %get3A_8 = vector.load %arg12[%get3A_6, %get3A_7] : memref<1x4096xf32, #tpu.memory_space<vmem>>, vector<1x4096xf32>
    %get3A_9 = vector.shape_cast %get3A_8 : vector<1x4096xf32> to vector<4096xf32>
    %reduce_sum3A_10 = arith.constant dense<0.000000e+00> : vector<4096xf32>
    %reduce_sum3A_11 = vector.multi_reduction <add>, %exp3A, %reduce_sum3A_10 [0] : vector<256x4096xf32> to vector<4096xf32>
    %add3A_12 = arith.addf %get3A_9, %reduce_sum3A_11 : vector<4096xf32>
    %swap3A = arith.constant 0 : index
    %swap3A_13 = arith.constant 0 : index
    %swap3A_14 = vector.load %arg12[%swap3A, %swap3A_13] : memref<1x4096xf32, #tpu.memory_space<vmem>>, vector<1x4096xf32>
    %swap3A_15 = vector.shape_cast %swap3A_14 : vector<1x4096xf32> to vector<4096xf32>
    %swap3A_16 = vector.shape_cast %add3A_12 : vector<4096xf32> to vector<1x4096xf32>
    tpu.vector_store %arg12[%swap3A, %swap3A_13], %swap3A_16 {strides = array<i32>} : memref<1x4096xf32, #tpu.memory_space<vmem>>, vector<1x4096xf32>,
    %mul3A = arith.constant 256 : i32
    %mul3A_17 = arith.muli %add3A_4, %mul3A : i32
    %get3A_18 = arith.constant 0 : index
    %get3A_19 = arith.index_cast %mul3A_17 : i32 to index
    %get3A_20 = vector.load %arg5[%get3A_18, %get3A_19] : memref<256x4096xf32, #tpu.memory_space<vmem>>, vector<256x256xf32>
    %get3A_21 = arith.constant 0 : index
    %get3A_22 = arith.constant 0 : index
    %get3A_23 = vector.load %arg1[%get3A_21, %get3A_22] : memref<1x256xi32, #tpu.memory_space<vmem>>, vector<1x256xi32>
    %get3A_24 = vector.shape_cast %get3A_23 : vector<1x256xi32> to vector<256xi32>
    %get3A_25 = arith.constant 0 : index
    %get3A_26 = arith.constant 0 : index
    %get3A_27 = vector.load %arg2[%get3A_25, %get3A_26] : memref<1x256xi32, #tpu.memory_space<vmem>>, vector<1x256xi32>
    %get3A_28 = vector.shape_cast %get3A_27 : vector<1x256xi32> to vector<256xi32>
    %mul3A_29 = arith.constant 256 : i32
    %mul3A_30 = arith.muli %add3A_4, %mul3A_29 : i32
    %iota3A = tpu.iota {dimensions = array<i32: 1>} : vector<256x256xi32>
    %add3A_31 = vector.broadcast %mul3A_30 : i32 to vector<256x256xi32>
    %add3A_32 = arith.addi %iota3A, %add3A_31 : vector<256x256xi32>
    %iota3A_33 = tpu.iota {dimensions = array<i32: 0>} : vector<256x256xi32>
    %add3A_34 = vector.broadcast %mul3A_30 : i32 to vector<256x256xi32>
    %add3A_35 = arith.addi %iota3A_33, %add3A_34 : vector<256x256xi32>
    %broadcast_in_dim3A = vector.shape_cast %get3A_24 : vector<256xi32> to vector<256x1xi32>
    %eq3A_36 = vector.broadcast %broadcast_in_dim3A : vector<256x1xi32> to vector<256x256xi32>
    %eq3A_37 = arith.cmpi eq, %add3A_32, %eq3A_36 : vector<256x256xi32>
    %jit3A = arith.constant 0.000000e+00 : f32
    %broadcast_in_dim3A_38 = vector.broadcast %jit3A : f32 to vector<256x256xf32>
    %select_n3A = arith.select %eq3A_37, %get3A_20, %broadcast_in_dim3A_38 : vector<256x256xi1>, vector<256x256xf32>
    %reduce_sum3A_39 = vector.shape_cast %select_n3A : vector<256x256xf32> to vector<1x256x256xf32>
    %reduce_sum3A_40 = arith.constant dense<0.000000e+00> : vector<1xf32>
    %reduce_sum3A_41 = vector.multi_reduction <add>, %reduce_sum3A_39, %reduce_sum3A_40 [1, 2] : vector<1x256x256xf32> to vector<1xf32>
    %reduce_sum3A_42 = vector.shape_cast %reduce_sum3A_41 : vector<1xf32> to vector<1x1x1xf32>
    %reduce_sum3A_43 = vector.extract %reduce_sum3A_42[0, 0, 0] : f32 from vector<1x1x1xf32>
    %broadcast_in_dim3A_44 = vector.shape_cast %get3A_28 : vector<256xi32> to vector<1x256xi32>
    %eq3A_45 = vector.broadcast %broadcast_in_dim3A_44 : vector<1x256xi32> to vector<256x256xi32>
    %eq3A_46 = arith.cmpi eq, %add3A_35, %eq3A_45 : vector<256x256xi32>
    %jit3A_47 = arith.constant 0.000000e+00 : f32
    %broadcast_in_dim3A_48 = vector.broadcast %jit3A_47 : f32 to vector<256x256xf32>
    %select_n3A_49 = arith.select %eq3A_46, %get3A_20, %broadcast_in_dim3A_48 : vector<256x256xi1>, vector<256x256xf32>
    %reduce_sum3A_50 = vector.shape_cast %select_n3A_49 : vector<256x256xf32> to vector<1x256x256xf32>
    %reduce_sum3A_51 = arith.constant dense<0.000000e+00> : vector<1xf32>
    %reduce_sum3A_52 = vector.multi_reduction <add>, %reduce_sum3A_50, %reduce_sum3A_51 [1, 2] : vector<1x256x256xf32> to vector<1xf32>
    %reduce_sum3A_53 = vector.shape_cast %reduce_sum3A_52 : vector<1xf32> to vector<1x1x1xf32>
    %reduce_sum3A_54 = vector.extract %reduce_sum3A_53[0, 0, 0] : f32 from vector<1x1x1xf32>
    %add3A_55 = arith.addf %reduce_sum3A_43, %reduce_sum3A_54 : f32
    %reduce_sum3A_56 = vector.shape_cast %log3A : vector<256xf32> to vector<1x256xf32>
    %reduce_sum3A_57 = arith.constant dense<0.000000e+00> : vector<1xf32>
    %reduce_sum3A_58 = vector.multi_reduction <add>, %reduce_sum3A_56, %reduce_sum3A_57 [1] : vector<1x256xf32> to vector<1xf32>
    %reduce_sum3A_59 = vector.shape_cast %reduce_sum3A_58 : vector<1xf32> to vector<1x1xf32>
    %reduce_sum3A_60 = vector.extract %reduce_sum3A_59[0, 0] : f32 from vector<1x1xf32>
    %sub3A = arith.subf %reduce_sum3A_60, %add3A_55 : f32
    %add3A_61 = arith.constant 0.000000e+00 : f32
    %add3A_62 = arith.addf %add3A_61, %sub3A : f32
    %get3A_63 = arith.constant 0 : index
    %get3A_64 = arith.constant 0 : index
    %get3A_65 = vector.load %arg6[%get3A_63, %get3A_64] : memref<256x4096xf32, #tpu.memory_space<vmem>>, vector<256x4096xf32>
    %add3A_66 = arith.constant 6 : i32
    %add3A_67 = arith.addi %add3A_66, %arg0 : i32
    %exp3A_68 = math.exp %get3A_65 : vector<256x4096xf32>
    %reduce_sum3A_69 = arith.constant dense<0.000000e+00> : vector<256xf32>
    %reduce_sum3A_70 = vector.multi_reduction <add>, %exp3A_68, %reduce_sum3A_69 [1] : vector<256x4096xf32> to vector<256xf32>
    %log3A_71 = math.log %reduce_sum3A_70 : vector<256xf32>
    %get3A_72 = arith.constant 0 : index
    %get3A_73 = arith.constant 0 : index
    %get3A_74 = vector.load %arg13[%get3A_72, %get3A_73] : memref<1x4096xf32, #tpu.memory_space<vmem>>, vector<1x4096xf32>
    %get3A_75 = vector.shape_cast %get3A_74 : vector<1x4096xf32> to vector<4096xf32>
    %reduce_sum3A_76 = arith.constant dense<0.000000e+00> : vector<4096xf32>
    %reduce_sum3A_77 = vector.multi_reduction <add>, %exp3A_68, %reduce_sum3A_76 [0] : vector<256x4096xf32> to vector<4096xf32>
    %add3A_78 = arith.addf %get3A_75, %reduce_sum3A_77 : vector<4096xf32>
    %swap3A_79 = arith.constant 0 : index
    %swap3A_80 = arith.constant 0 : index
    %swap3A_81 = vector.load %arg13[%swap3A_79, %swap3A_80] : memref<1x4096xf32, #tpu.memory_space<vmem>>, vector<1x4096xf32>
    %swap3A_82 = vector.shape_cast %swap3A_81 : vector<1x4096xf32> to vector<4096xf32>
    %swap3A_83 = vector.shape_cast %add3A_78 : vector<4096xf32> to vector<1x4096xf32>
    tpu.vector_store %arg13[%swap3A_79, %swap3A_80], %swap3A_83 {strides = array<i32>} : memref<1x4096xf32, #tpu.memory_space<vmem>>, vector<1x4096xf32>,
    %mul3A_84 = arith.constant 256 : i32
    %mul3A_85 = arith.muli %add3A_67, %mul3A_84 : i32
    %get3A_86 = arith.constant 0 : index
    %get3A_87 = arith.index_cast %mul3A_85 : i32 to index
    %get3A_88 = vector.load %arg6[%get3A_86, %get3A_87] : memref<256x4096xf32, #tpu.memory_space<vmem>>, vector<256x256xf32>
    %get3A_89 = arith.constant 0 : index
    %get3A_90 = arith.constant 0 : index
    %get3A_91 = vector.load %arg3[%get3A_89, %get3A_90] : memref<1x256xi32, #tpu.memory_space<vmem>>, vector<1x256xi32>
    %get3A_92 = vector.shape_cast %get3A_91 : vector<1x256xi32> to vector<256xi32>
    %get3A_93 = arith.constant 0 : index
    %get3A_94 = arith.constant 0 : index
    %get3A_95 = vector.load %arg4[%get3A_93, %get3A_94] : memref<1x256xi32, #tpu.memory_space<vmem>>, vector<1x256xi32>
    %get3A_96 = vector.shape_cast %get3A_95 : vector<1x256xi32> to vector<256xi32>
    %mul3A_97 = arith.constant 256 : i32
    %mul3A_98 = arith.muli %add3A_67, %mul3A_97 : i32
    %iota3A_99 = tpu.iota {dimensions = array<i32: 1>} : vector<256x256xi32>
    %add3A_100 = vector.broadcast %mul3A_98 : i32 to vector<256x256xi32>
    %add3A_101 = arith.addi %iota3A_99, %add3A_100 : vector<256x256xi32>
    %iota3A_102 = tpu.iota {dimensions = array<i32: 0>} : vector<256x256xi32>
    %add3A_103 = vector.broadcast %mul3A_98 : i32 to vector<256x256xi32>
    %add3A_104 = arith.addi %iota3A_102, %add3A_103 : vector<256x256xi32>
    %broadcast_in_dim3A_105 = vector.shape_cast %get3A_92 : vector<256xi32> to vector<256x1xi32>
    %eq3A_106 = vector.broadcast %broadcast_in_dim3A_105 : vector<256x1xi32> to vector<256x256xi32>
    %eq3A_107 = arith.cmpi eq, %add3A_101, %eq3A_106 : vector<256x256xi32>
    %jit3A_108 = arith.constant 0.000000e+00 : f32
    %broadcast_in_dim3A_109 = vector.broadcast %jit3A_108 : f32 to vector<256x256xf32>
    %select_n3A_110 = arith.select %eq3A_107, %get3A_88, %broadcast_in_dim3A_109 : vector<256x256xi1>, vector<256x256xf32>
    %reduce_sum3A_111 = vector.shape_cast %select_n3A_110 : vector<256x256xf32> to vector<1x256x256xf32>
    %reduce_sum3A_112 = arith.constant dense<0.000000e+00> : vector<1xf32>
    %reduce_sum3A_113 = vector.multi_reduction <add>, %reduce_sum3A_111, %reduce_sum3A_112 [1, 2] : vector<1x256x256xf32> to vector<1xf32>
    %reduce_sum3A_114 = vector.shape_cast %reduce_sum3A_113 : vector<1xf32> to vector<1x1x1xf32>
    %reduce_sum3A_115 = vector.extract %reduce_sum3A_114[0, 0, 0] : f32 from vector<1x1x1xf32>
    %broadcast_in_dim3A_116 = vector.shape_cast %get3A_96 : vector<256xi32> to vector<1x256xi32>
    %eq3A_117 = vector.broadcast %broadcast_in_dim3A_116 : vector<1x256xi32> to vector<256x256xi32>
    %eq3A_118 = arith.cmpi eq, %add3A_104, %eq3A_117 : vector<256x256xi32>
    %jit3A_119 = arith.constant 0.000000e+00 : f32
    %broadcast_in_dim3A_120 = vector.broadcast %jit3A_119 : f32 to vector<256x256xf32>
    %select_n3A_121 = arith.select %eq3A_118, %get3A_88, %broadcast_in_dim3A_120 : vector<256x256xi1>, vector<256x256xf32>
    %reduce_sum3A_122 = vector.shape_cast %select_n3A_121 : vector<256x256xf32> to vector<1x256x256xf32>
    %reduce_sum3A_123 = arith.constant dense<0.000000e+00> : vector<1xf32>
    %reduce_sum3A_124 = vector.multi_reduction <add>, %reduce_sum3A_122, %reduce_sum3A_123 [1, 2] : vector<1x256x256xf32> to vector<1xf32>
    %reduce_sum3A_125 = vector.shape_cast %reduce_sum3A_124 : vector<1xf32> to vector<1x1x1xf32>
    %reduce_sum3A_126 = vector.extract %reduce_sum3A_125[0, 0, 0] : f32 from vector<1x1x1xf32>
    %add3A_127 = arith.addf %reduce_sum3A_115, %reduce_sum3A_126 : f32
    %reduce_sum3A_128 = vector.shape_cast %log3A_71 : vector<256xf32> to vector<1x256xf32>
    %reduce_sum3A_129 = arith.constant dense<0.000000e+00> : vector<1xf32>
    %reduce_sum3A_130 = vector.multi_reduction <add>, %reduce_sum3A_128, %reduce_sum3A_129 [1] : vector<1x256xf32> to vector<1xf32>
    %reduce_sum3A_131 = vector.shape_cast %reduce_sum3A_130 : vector<1xf32> to vector<1x1xf32>
    %reduce_sum3A_132 = vector.extract %reduce_sum3A_131[0, 0] : f32 from vector<1x1xf32>
    %sub3A_133 = arith.subf %reduce_sum3A_132, %add3A_127 : f32
    %add3A_134 = arith.addf %add3A_62, %sub3A_133 : f32
    %lt3A = arith.constant 2 : i32
    %lt3A_135 = arith.cmpi slt, %arg0, %lt3A : i32
    %convert_element_type3A_136 = arith.extui %lt3A_135 : i1 to i32
    %cond3A_137 = arith.constant 0 : i32
    %cond3A_138 = arith.cmpi ne, %convert_element_type3A_136, %cond3A_137 : i32
    scf.if %cond3A_138 {
      %add3A_151 = arith.constant 6 : i32
      %add3A_152 = arith.addi %add3A_151, %arg0 : i32
      %mul3A_153 = arith.constant 512 : i32
      %mul3A_154 = arith.muli %add3A_152, %mul3A_153 : i32
      %get3A_155 = arith.constant 0 : index
      %get3A_156 = arith.constant 0 : index
      %get3A_157 = vector.load %arg7[%get3A_155, %get3A_156] : memref<512x512xf32, #tpu.memory_space<vmem>>, vector<512x512xf32>
      %get3A_158 = arith.constant 0 : index
      %get3A_159 = arith.constant 0 : index
      %get3A_160 = vector.load %arg8[%get3A_158, %get3A_159] : memref<1x512xi32, #tpu.memory_space<vmem>>, vector<1x512xi32>
      %get3A_161 = vector.shape_cast %get3A_160 : vector<1x512xi32> to vector<512xi32>
      %get3A_162 = arith.constant 0 : index
      %get3A_163 = arith.constant 0 : index
      %get3A_164 = vector.load %arg9[%get3A_162, %get3A_163] : memref<1x512xi32, #tpu.memory_space<vmem>>, vector<1x512xi32>
      %get3A_165 = vector.shape_cast %get3A_164 : vector<1x512xi32> to vector<512xi32>
      %iota3A_166 = tpu.iota {dimensions = array<i32: 1>} : vector<512x512xi32>
      %add3A_167 = vector.broadcast %mul3A_154 : i32 to vector<512x512xi32>
      %add3A_168 = arith.addi %iota3A_166, %add3A_167 : vector<512x512xi32>
      %iota3A_169 = tpu.iota {dimensions = array<i32: 0>} : vector<512x512xi32>
      %add3A_170 = vector.broadcast %mul3A_154 : i32 to vector<512x512xi32>
      %add3A_171 = arith.addi %iota3A_169, %add3A_170 : vector<512x512xi32>
      %broadcast_in_dim3A_172 = vector.shape_cast %get3A_161 : vector<512xi32> to vector<512x1xi32>
      %eq3A_173 = vector.broadcast %broadcast_in_dim3A_172 : vector<512x1xi32> to vector<512x512xi32>
      %eq3A_174 = arith.cmpi eq, %add3A_168, %eq3A_173 : vector<512x512xi32>
      %jit3A_175 = arith.constant 0.000000e+00 : f32
      %broadcast_in_dim3A_176 = vector.broadcast %jit3A_175 : f32 to vector<512x512xf32>
      %select_n3A_177 = arith.select %eq3A_174, %get3A_157, %broadcast_in_dim3A_176 : vector<512x512xi1>, vector<512x512xf32>
      %reduce_sum3A_178 = vector.shape_cast %select_n3A_177 : vector<512x512xf32> to vector<1x512x512xf32>
      %reduce_sum3A_179 = arith.constant dense<0.000000e+00> : vector<1xf32>
      %reduce_sum3A_180 = vector.multi_reduction <add>, %reduce_sum3A_178, %reduce_sum3A_179 [1, 2] : vector<1x512x512xf32> to vector<1xf32>
      %reduce_sum3A_181 = vector.shape_cast %reduce_sum3A_180 : vector<1xf32> to vector<1x1x1xf32>
      %reduce_sum3A_182 = vector.extract %reduce_sum3A_181[0, 0, 0] : f32 from vector<1x1x1xf32>
      %broadcast_in_dim3A_183 = vector.shape_cast %get3A_165 : vector<512xi32> to vector<1x512xi32>
      %eq3A_184 = vector.broadcast %broadcast_in_dim3A_183 : vector<1x512xi32> to vector<512x512xi32>
      %eq3A_185 = arith.cmpi eq, %add3A_171, %eq3A_184 : vector<512x512xi32>
      %jit3A_186 = arith.constant 0.000000e+00 : f32
      %broadcast_in_dim3A_187 = vector.broadcast %jit3A_186 : f32 to vector<512x512xf32>
      %select_n3A_188 = arith.select %eq3A_185, %get3A_157, %broadcast_in_dim3A_187 : vector<512x512xi1>, vector<512x512xf32>
      %reduce_sum3A_189 = vector.shape_cast %select_n3A_188 : vector<512x512xf32> to vector<1x512x512xf32>
      %reduce_sum3A_190 = arith.constant dense<0.000000e+00> : vector<1xf32>
      %reduce_sum3A_191 = vector.multi_reduction <add>, %reduce_sum3A_189, %reduce_sum3A_190 [1, 2] : vector<1x512x512xf32> to vector<1xf32>
      %reduce_sum3A_192 = vector.shape_cast %reduce_sum3A_191 : vector<1xf32> to vector<1x1x1xf32>
      %reduce_sum3A_193 = vector.extract %reduce_sum3A_192[0, 0, 0] : f32 from vector<1x1x1xf32>
      %add3A_194 = arith.addf %reduce_sum3A_182, %reduce_sum3A_193 : f32
      %get3A_195 = arith.constant 0 : index
      %get3A_196 = arith.constant 0 : index
      %get3A_197 = vector.load %arg11[%get3A_195, %get3A_196] : memref<1x1xf32, #tpu.memory_space<vmem>>, vector<1x1xf32>
      %neg3A = arith.constant 0.000000e+00 : f32
      %neg3A_198 = arith.subf %neg3A, %add3A_194 : f32
      %reshape3A_199 = vector.broadcast %neg3A_198 : f32 to vector<1x1xf32>
      %add3A_200 = arith.addf %get3A_197, %reshape3A_199 : vector<1x1xf32>
      %swap3A_201 = arith.constant 0 : index
      %swap3A_202 = arith.constant 0 : index
      %swap3A_203 = vector.load %arg11[%swap3A_201, %swap3A_202] : memref<1x1xf32, #tpu.memory_space<vmem>>, vector<1x1xf32>
      tpu.vector_store %arg11[%swap3A_201, %swap3A_202], %add3A_200 {strides = array<i32>} : memref<1x1xf32, #tpu.memory_space<vmem>>, vector<1x1xf32>,
    } else {
    }
    %get3A_139 = arith.constant 0 : index
    %get3A_140 = arith.constant 0 : index
    %get3A_141 = vector.load %arg11[%get3A_139, %get3A_140] : memref<1x1xf32, #tpu.memory_space<vmem>>, vector<1x1xf32>
    %reshape3A = vector.broadcast %add3A_134 : f32 to vector<1x1xf32>
    %add3A_142 = arith.addf %get3A_141, %reshape3A : vector<1x1xf32>
    %swap3A_143 = arith.constant 0 : index
    %swap3A_144 = arith.constant 0 : index
    %swap3A_145 = vector.load %arg11[%swap3A_143, %swap3A_144] : memref<1x1xf32, #tpu.memory_space<vmem>>, vector<1x1xf32>
    tpu.vector_store %arg11[%swap3A_143, %swap3A_144], %add3A_142 {strides = array<i32>} : memref<1x1xf32, #tpu.memory_space<vmem>>, vector<1x1xf32>,
    %eq3A_146 = arith.constant 5 : i32
    %eq3A_147 = arith.cmpi eq, %arg0, %eq3A_146 : i32
    %convert_element_type3A_148 = arith.extui %eq3A_147 : i1 to i32
    %cond3A_149 = arith.constant 0 : i32
    %cond3A_150 = arith.cmpi ne, %convert_element_type3A_148, %cond3A_149 : i32
    scf.if %cond3A_150 {
      %get3A_151 = arith.constant 0 : index
      %get3A_152 = arith.constant 0 : index
      %get3A_153 = vector.load %arg12[%get3A_151, %get3A_152] : memref<1x4096xf32, #tpu.memory_space<vmem>>, vector<1x4096xf32>
      %get3A_154 = vector.shape_cast %get3A_153 : vector<1x4096xf32> to vector<4096xf32>
      %get3A_155 = arith.constant 0 : index
      %get3A_156 = arith.constant 0 : index
      %get3A_157 = vector.load %arg13[%get3A_155, %get3A_156] : memref<1x4096xf32, #tpu.memory_space<vmem>>, vector<1x4096xf32>
      %get3A_158 = vector.shape_cast %get3A_157 : vector<1x4096xf32> to vector<4096xf32>
      %add3A_159 = arith.addf %get3A_154, %get3A_158 : vector<4096xf32>
      %swap3A_160 = arith.constant 0 : index
      %swap3A_161 = arith.constant 0 : index
      %swap3A_162 = vector.load %arg10[%swap3A_160, %swap3A_161] : memref<1x4096xf32, #tpu.memory_space<vmem>>, vector<1x4096xf32>
      %swap3A_163 = vector.shape_cast %swap3A_162 : vector<1x4096xf32> to vector<4096xf32>
      %swap3A_164 = vector.shape_cast %add3A_159 : vector<4096xf32> to vector<1x4096xf32>
      tpu.vector_store %arg10[%swap3A_160, %swap3A_161], %swap3A_164 {strides = array<i32>} : memref<1x4096xf32, #tpu.memory_space<vmem>>, vector<1x4096xf32>,
    } else {
    }
    return
  }
  func.func @transform_0(%arg0: i32) -> (i32, i32) {
    %add3A = arith.constant 0 : i32
    %add3A_0 = arith.addi %add3A, %arg0 : i32
    %c0_i32 = arith.constant 0 : i32
    %c0_i32_1 = arith.constant 0 : i32
    return %c0_i32, %add3A_0 : i32, i32
  }
  func.func @transform_1(%arg0: i32) -> (i32, i32) {
    %add3A = arith.constant 0 : i32
    %add3A_0 = arith.addi %add3A, %arg0 : i32
    %c0_i32 = arith.constant 0 : i32
    %c0_i32_1 = arith.constant 0 : i32
    return %c0_i32, %add3A_0 : i32, i32
  }
  func.func @transform_2(%arg0: i32) -> (i32, i32) {
    %add3A = arith.constant 6 : i32
    %add3A_0 = arith.addi %add3A, %arg0 : i32
    %c0_i32 = arith.constant 0 : i32
    %c0_i32_1 = arith.constant 0 : i32
    return %c0_i32, %add3A_0 : i32, i32
  }
  func.func @transform_3(%arg0: i32) -> (i32, i32) {
    %add3A = arith.constant 6 : i32
    %add3A_0 = arith.addi %add3A, %arg0 : i32
    %c0_i32 = arith.constant 0 : i32
    %c0_i32_1 = arith.constant 0 : i32
    return %c0_i32, %add3A_0 : i32, i32
  }
  func.func @transform_4(%arg0: i32) -> (i32, i32) {
    %add3A = arith.constant 0 : i32
    %add3A_0 = arith.addi %add3A, %arg0 : i32
    %c0_i32 = arith.constant 0 : i32
    %c0_i32_1 = arith.constant 0 : i32
    return %add3A_0, %c0_i32 : i32, i32
  }
  func.func @transform_5(%arg0: i32) -> (i32, i32) {
    %add3A = arith.constant 6 : i32
    %add3A_0 = arith.addi %add3A, %arg0 : i32
    %c0_i32 = arith.constant 0 : i32
    %c0_i32_1 = arith.constant 0 : i32
    return %add3A_0, %c0_i32 : i32, i32
  }
  func.func @transform_6(%arg0: i32) -> (i32, i32) {
    %min3A = arith.constant 1 : i32
    %min3A_0 = arith.minsi %arg0, %min3A : i32
    %add3A = arith.constant 6 : i32
    %add3A_1 = arith.addi %min3A_0, %add3A : i32
    %min3A_2 = arith.constant 1 : i32
    %min3A_3 = arith.minsi %arg0, %min3A_2 : i32
    %add3A_4 = arith.constant 6 : i32
    %add3A_5 = arith.addi %min3A_3, %add3A_4 : i32
    %c0_i32 = arith.constant 0 : i32
    return %add3A_1, %add3A_5 : i32, i32
  }
  func.func @transform_7(%arg0: i32) -> (i32, i32) {
    %min3A = arith.constant 1 : i32
    %min3A_0 = arith.minsi %arg0, %min3A : i32
    %add3A = arith.constant 6 : i32
    %add3A_1 = arith.addi %min3A_0, %add3A : i32
    %c0_i32 = arith.constant 0 : i32
    %c0_i32_2 = arith.constant 0 : i32
    return %c0_i32, %add3A_1 : i32, i32
  }
  func.func @transform_8(%arg0: i32) -> (i32, i32) {
    %min3A = arith.constant 1 : i32
    %min3A_0 = arith.minsi %arg0, %min3A : i32
    %add3A = arith.constant 6 : i32
    %add3A_1 = arith.addi %min3A_0, %add3A : i32
    %c0_i32 = arith.constant 0 : i32
    %c0_i32_2 = arith.constant 0 : i32
    return %c0_i32, %add3A_1 : i32, i32
  }
  func.func @transform_9(%arg0: i32) -> (i32, i32) {
    %c0_i32 = arith.constant 0 : i32
    %c0_i32_0 = arith.constant 0 : i32
    %c0_i32_1 = arith.constant 0 : i32
    return %c0_i32, %c0_i32_0 : i32, i32
  }
  func.func @transform_10(%arg0: i32) -> (i32, i32) {
    %c0_i32 = arith.constant 0 : i32
    %c0_i32_0 = arith.constant 0 : i32
    %c0_i32_1 = arith.constant 0 : i32
    return %c0_i32, %c0_i32_0 : i32, i32
  }
}

</mosaic_0001>

<sc_bundles>
// kernel: kernel.5.cloned.1.call-start
scs
__scs_entry_jumppad:
0x0: {  	(pc) =	sbr.rel $0x88, $3  }
0x1: {  	(tag) =	ssettag $0x0;
	lr =	simm.s32 $0x1  }
0x2: {  	[smem:$0x3F9E] =	sst lr;
	_ =	strace $0xD0000000  }
0x3: {  	_ = 	snop  }
0x4: {  	_ = 	snop  }
0x5: {  	_ = 	snop  }
0x6: {  	_ = 	snop  }
0x7: {  	_ = 	snop  }
__scs_overlays_trampoline_lowered:
0x8: {  	[smem:$0x3FAD] =	sst s0  }
0x9: {  	[smem:$0x3FAE] =	sst s1  }
0xa: {  	[smem:$0x3FAF] =	sst s2  }
0xb: {  	[smem:$0x3FB0] =	sst s3  }
0xc: {  	[smem:$0x3FB1] =	sst s4  }
0xd: {  	[smem:$0x3FB2] =	sst s5  }
0xe: {  	[smem:$0x3FB3] =	sst s6  }
0xf: {  	[smem:$0x3FB4] =	sst s7  }
0x10: {  	[smem:$0x3FB5] =	sst s8  }
0x11: {  	[smem:$0x3FB6] =	sst s9;
	s0 =	simm.s32 @!p0 $0x0  }
0x12: {  	s1 =	sld [smem:$0x3F9C];
	s0 =	simm.s32 @p0 $0x1  }
0x13: {  	[smem:$0x3FB7] =	sst s0;
	s0 =	simm.s32 @!p1 $0x0  }
0x14: {  	s2 =	sld [smem:$0x3F9B];
	s0 =	simm.s32 @p1 $0x1  }
0x15: {  	[smem:$0x3FB8] =	sst s0;
	s0 =	simm.s32 @!p2 $0x0  }
0x16: {  	s3 =	sld [smem:$0x3FDB];
	s0 =	simm.s32 @p2 $0x1  }
0x17: {  	s4 =	simm.s32 $0x1BF5;
	[smem:$0x3FBA] =	sst s0  }
0x18: {  	s0 =	sld [smem:$0x3F9D];
	_ =	swait.ge [sflag:s4], $0x0  }
0x19: {  	s7 =	sld [smem:$0x3F9E]  }
0x1a: {  	s8 =	sadd.s32 $0xFFFFE003, lr  }
0x1b: {  	s9 =	sadd.s32 $0xFFFFFEF7, lr;
	s5 =	simm.s32 $0xFFFFFFFF;
	p2 =	slt.u32 s8, $0xFFFFF086  }
0x1c: {  	p1 =	slt.u32 s9, $0xF7A;
	s5 =	simm.s32 @!p2 $0x0  }
0x1d: {  	s5 =	simm.s32 @p1 $0x1;
	p0 =	seq.s32 s7, s2  }
0x1e: {  	s7 =	smul.u32 @!p0 $0xF7A, s2;
	p2 =	seq.s32 @!p0 s5, $0x0  }
0x1f: {  	s9 =	smul.u32 $0xF7A, s1;
	s8 =	simm.s32 @!p0 $0x1BF5;
	p2 =	por !p2, p0  }
0x20: {  	[sflag:s8] =	ssyncset.s32 @!p0 $0xFFFFF086;
	s6 =	sadd.s32 @!p0 s3, s7;
	s7 =	simm.s32 @!p0 $0x108  }
0x21: {  	s3 =	sadd.s32 s3, s9;
	s6 =	sadd.s32 @!p0 $0x88, s6;
	s7 =	simm.s32 @p2 $0x1082  }
0x22: {  	[simem:s7], [sflag:s8] =	dma.local @!p0 [hbm:s6], $0xF7A  }
0x23: {  	s9 =	sor.u32 $0xD0000000, s2;
	s6 =	simm.s32 $0x108;
	_ =	swait.ge @!p0 [sflag:s8], $0x0  }
0x24: {  	s3 =	sadd.s32 $0x88, s3;
	s6 =	simm.s32 @!p1 $0x1082;
	[sflag:s4] =	ssyncset.s32 $0xFFFFF086  }
0x25: {  	[simem:s6], [sflag:s4] =	dma.local [hbm:s3], $0xF7A  }
0x26: {  	[smem:$0x3F9E] =	sst s1;
	(tag) =	ssettag s2;
	_ =	strace s9  }
0x27: {  	s1 =	sld [smem:$0x3FAE]  }
0x28: {  	s2 =	sld [smem:$0x3FAF]  }
0x29: {  	s4 =	sld [smem:$0x3FB1]  }
0x2a: {  	p0 =	seq.s32 s5, $0x0;
	s5 =	sld [smem:$0x3FB2]  }
0x2b: {  	s6 =	sld [smem:$0x3FB3]  }
0x2c: {  	s7 =	sld [smem:$0x3FB4]  }
0x2d: {  	s3 =	simm.s32 $0x108;
	s8 =	sld [smem:$0x3FB5]  }
0x2e: {  	s3 =	simm.s32 @!p0 $0x1082;
	s9 =	sld [smem:$0x3FB6]  }
0x2f: {  	lr =	sadd.s32 s0, s3;
	s0 =	sld [smem:$0x3FAD]  }
0x30: {  	s3 =	sld [smem:$0x3FB0]  }
0x31: {  	[smem:$0x3FB9] =	sst s10  }
0x32: {  	s10 =	sld [smem:$0x3FB7];
	_ =	sdelay $0x3  }
0x33: {  	p0 =	seq.s32 s10, $0x1;
	s10 =	sld [smem:$0x3FB9];
	_ =	sdelay $0x3  }
0x34: {  	[smem:$0x3FB9] =	sst s10  }
0x35: {  	s10 =	sld [smem:$0x3FB8];
	_ =	sdelay $0x3  }
0x36: {  	p1 =	seq.s32 s10, $0x1;
	s10 =	sld [smem:$0x3FB9];
	_ =	sdelay $0x3  }
0x37: {  	[smem:$0x3FB9] =	sst s10  }
0x38: {  	s10 =	sld [smem:$0x3FBA]  }
0x39: {  	_ = 	snop;
	(pc) =	sbr.ind lr, $3  }
0x3a: {  	_ = 	snop  }
0x3b: {  	_ = 	snop  }
0x3c: {  	p2 =	seq.s32 s10, $0x1;
	s10 =	sld [smem:$0x3FB9]  }
0x3d: {  	_ =	shalt  }
0x3e: {  	_ =	shalt  }
0x3f: {  	_ =	shalt  }
0x40: {  	_ =	shalt  }
0x41: {  	_ =	shalt  }
0x42: {  	_ =	shalt  }
0x43: {  	_ =	shalt  }
0x44: {  	_ =	shalt  }
0x45: {  	_ =	shalt  }
0x46: {  	_ =	shalt  }
0x47: {  	_ =	shalt  }
0x48: {  	_ =	shalt  }
0x49: {  	_ =	shalt  }
0x4a: {  	_ =	shalt  }
0x4b: {  	_ =	shalt  }
0x4c: {  	_ =	shalt  }
0x4d: {  	_ =	shalt  }
0x4e: {  	_ =	shalt  }
0x4f: {  	_ =	shalt  }
0x50: {  	_ =	shalt  }
0x51: {  	_ =	shalt  }
0x52: {  	_ =	shalt  }
0x53: {  	_ =	shalt  }
0x54: {  	_ =	shalt  }
0x55: {  	_ =	shalt  }
0x56: {  	_ =	shalt  }
0x57: {  	_ =	shalt  }
0x58: {  	_ =	shalt  }
0x59: {  	_ =	shalt  }
0x5a: {  	_ =	shalt  }
0x5b: {  	_ =	shalt  }
0x5c: {  	_ =	shalt  }
0x5d: {  	_ =	shalt  }
0x5e: {  	_ =	shalt  }
0x5f: {  	_ =	shalt  }
0x60: {  	_ =	shalt  }
0x61: {  	_ =	shalt  }
0x62: {  	_ =	shalt  }
0x63: {  	_ =	shalt  }
0x64: {  	_ =	shalt  }
0x65: {  	_ =	shalt  }
0x66: {  	_ =	shalt  }
0x67: {  	_ =	shalt  }
0x68: {  	_ =	shalt  }
0x69: {  	_ =	shalt  }
0x6a: {  	_ =	shalt  }
0x6b: {  	_ =	shalt  }
0x6c: {  	_ =	shalt  }
0x6d: {  	_ =	shalt  }
0x6e: {  	_ =	shalt  }
0x6f: {  	_ =	shalt  }
0x70: {  	_ =	shalt  }
0x71: {  	_ =	shalt  }
0x72: {  	_ =	shalt  }
0x73: {  	_ =	shalt  }
0x74: {  	_ =	shalt  }
0x75: {  	_ =	shalt  }
0x76: {  	_ =	shalt  }
0x77: {  	_ =	shalt  }
0x78: {  	_ =	shalt  }
0x79: {  	_ =	shalt  }
0x7a: {  	_ =	shalt  }
0x7b: {  	_ =	shalt  }
0x7c: {  	_ =	shalt  }
0x7d: {  	_ =	shalt  }
0x7e: {  	_ =	shalt  }
0x7f: {  	_ =	shalt  }
0x80: {  	_ =	shalt  }
0x81: {  	_ =	shalt  }
0x82: {  	_ =	shalt  }
0x83: {  	_ =	shalt  }
0x84: {  	_ =	shalt  }
0x85: {  	_ =	shalt  }
0x86: {  	_ =	shalt  }
0x87: {  	_ =	shalt  }
.Lfunc_end0:
.L_simem_size_0:
called_computation_lowered:
.L_overlay_start_0:
0x88: {  	s2 =	sld [smem:$0x3FD9]  }
0x89: {  	s3 =	sld [smem:$0x3FFE];
	_ =	sdelay $0x1  }
0x8a: {  	s1 =	srdreg.scid  }
0x8b: {  	s0 =	sand.u32 $0x1, s1  }
0x8c: {  	s17 =	sshll.u32 s0, $0xA;
	s2 =	sadd.s32 s3, s2  }
0x8d: {  	s2 =	sadd.s32 s2, s17  }
0x8e: {  	[smem:$0x3FC5] =	sst s2  }
0x8f: {  	_ = 	snop  }
0x90: {  	s2 =	sld [smem:$0x3FC7];
	(tm) =	ssettm $0x1  }
0x91: {  	s18 =	sld [smem:$0x3FFB];
	_ =	sdelay $0x3  }
0x92: {  	_ =	strace s18  }
0x93: {  	s3 =	sld [smem:$0x3FFC];
	_ =	sdelay $0x3  }
0x94: {  	_ =	strace s3  }
0x95: {  	s3 =	sld [smem:$0x3FFD];
	_ =	sdelay $0x3  }
0x96: {  	_ =	strace s3  }
0x97: {  	_ =	strace $0x8FFFFFFF  }
0x98: {  	s19 =	sld [smem:$0x3FDB];
	_ =	sdelay $0x1  }
0x99: {  	s4 =	simm.s32 $_scs_section_size  }
0x9a: {  	s5 =	simm.s32 $_size__tile_overlayer_lowered;
	s6 =	simm.s32 $_tile_overlayer_lowered  }
0x9b: {  	s22 =	simm.s32 $0x1BFF;
	s21 =	sshll.u32 s6, $0x1;
	s3 =	sadd.s32 s4, s19  }
0x9c: {  	s7 =	simm.s32 $0x0;
	s20 =	sshll.u32 s5, $0x1;
	s5 =	sadd.s32 s21, s3  }
0x9d: {  	[timem:s7], [sflag:s22] =	dma.local [hbm:s5], s20  }
0x9e: {  	_ =	swait.ge [sflag:s22], s20  }
0x9f: {  	s4 =	ssub.s32 $0x0, s20;
	[sflag:s22] =	ssyncset.done $0x0  }
0xa0: {  	[sflag:s22] =	ssyncadd.s32 s4;
	_ =	sdelay $0x1  }
0xa1: {  	s23 =	simm.s32 $0x1B8B  }
0xa2: {  	_ =	swait.ge [sflag:s23], $0x1  }
0xa3: {  	[sflag:s23] =	ssyncset.done $0x0  }
0xa4: {  	s25 =	simm.s32 $0x1B8E;
	s24 =	sld [smem:$0x3FFE];
	[sflag:s23] =	ssyncadd.s32 $0xFFFFFFFF  }
0xa5: {  	s26 =	simm.s32 $execute0_lowered;
	[smem:$0x3FD2] =	sst s25  }
0xa6: {  	s5 =	sshll.u32 s26, $0x1;
	_ =	strace $0x80000046;
	[dreg:$0x1] =	wrdreg $0xFFFFFFFF  }
0xa7: {  	s28 =	simm.s32 $_size_execute0_lowered;
	s3 =	sadd.s32 s3, s5;
	[dreg:$0x0] =	wrdreg $0x0  }
0xa8: {  	s5 =	sshll.u32 s28, $0x1;
	[dreg:$0x2] =	wrdreg s3  }
0xa9: {  	[dreg:$0x3] =	wrdreg s5  }
0xaa: {  	[dreg:$0x4] =	wrdreg $0xC0  }
0xab: {  	_ =	task [dreg:s7], $0x5FFFF  }
0xac: {  	[dreg:$0x1] =	wrdreg $0xFFFFFFFF  }
0xad: {  	[dreg:$0x0] =	wrdreg $0x60  }
0xae: {  	[dreg:$0x2] =	wrdreg s2  }
0xaf: {  	[dreg:$0x3] =	wrdreg s24  }
0xb0: {  	[dreg:$0x4] =	wrdreg $0x9  }
0xb1: {  	_ =	task.clear_ibuf [dreg:s7], $0x5FFFF;
	_ =	strace $0x90000046  }
0xb2: {  	s29 =	simm.s32 $0x9;
	_ =	strace $0x80000048  }
0xb3: {  	_ =	swait.ge [sflag:s29], $0x1  }
0xb4: {  	[sflag:s29] =	ssyncadd.s32 $0xFFFFFFFF  }
0xb5: {  	_ =	strace $0x90000048  }
0xb6: {  	_ =	sfence  }
0xb7: {  	s30 =	sld [smem:$0x0];
	_ =	sdelay $0x2  }
0xb8: {  	s31 =	sshll.u32 s1, $0xD;
	s1 =	sshrl.u32 s1, $0x2  }
0xb9: {  	s3 =	sand.u32 $0x4000, s31;
	s1 =	sadd.s32 s1, s30  }
0xba: {  	s0 =	sor.u32 s3, s0;
	s1 =	sshll.u32 s1, $0x11  }
0xbb: {  	s0 =	sor.u32 s1, s0  }
0xbc: {  	s0 =	sadd.s32 $0x8F2B, s0  }
0xbd: {  	[sflag:s0] =	ssyncadd.remote.s32 $0x1  }
0xbe: {  	_ =	sfence.sel $0xFFFF  }
0xbf: {  	[dreg:$0x0] =	wrdreg $0xFFFFFFFF;
	(pc) =	sbr.abs _section_cstart, $3  }
0xc0: {  	[dreg:$0x1] =	wrdreg $0xFFFFFFFF  }
0xc1: {  	_ =	task.clear_ibuf [dreg:s7], $0x2FFFF;
	_ =	strace $0x9FFFFFFF  }
0xc2: {  	(tm) =	ssettm $0x7FFFFFFF  }
0xc3: {  	_ =	shalt  }
tec
execute0_lowered:
.L_overlay_start_1:
0x0: {  	(tag) =	ssettag $0x1  }
0x1: {  	s3 =	rddreg [dreg:$0x0]  }
0x2: {  	s4 =	rddreg [dreg:$0x1]  }
0x3: {  	s0 =	rddreg [dreg:$0x2];
	s2 =	simm.s32 $0x0  }
0x4: {  	s1 =	stileid.u32;
	s5 =	srdreg.scid;
	s11 =	simm.s32 $0x1  }
0x5: {  	s12 =	simm.s32 $0x2;
	s13 =	simm.s32 $0x80;
	s14 =	simm.s32 $0x400  }
0x6: {  	s15 =	simm.s32 $0x10000;
	s16 =	simm.s32 $0x3;
	s17 =	simm.s32 $0x11000  }
0x7: {  	s18 =	simm.s32 $0x0;
	[smem:$0x7FF] =	sst s2;
	s6 =	sshll.u32 s1, $0xA  }
0x8: {  	s5 =	sand.u32 $0x1, s5;
	s7 =	sshll.u32 s1, $0x1;
	_ =	strace $0x80000047  }
0x9: {  	s6 =	sand.u32 $0x3000, s6;
	s7 =	sor.u32 s5, s7;
	s5 =	ssub.s32 $0x2, s5  }
0xa: {  	s8 =	sadd.s32 s6, s4;
	s28 =	sshll.u32 s7, $0x9;
	s29 =	sshrl.u32 s5, $0x1  }
0xb: {  	s30 =	sshll.u32 s7, $0xE;
	s31 =	sshll.u32 s7, $0x4;
	s9 =	sadd.s32 s28, s4  }
0xc: {  	s10 =	ssub.s32 s5, s29;
	s6 =	sadd.s32 s30, s3;
	s7 =	sand.u32 $0x70, s31  }
0xd: {  	s3 =	sadd.s32 $0x180000, s6;
	s4 =	sadd.s32 $0x181000, s6;
	s5 =	sadd.s32 $0x182000, s6  }
0xe: {  	s6 =	sadd.s32 $0x183000, s6;
	s7 =	sadd.s32 s7, s8;
	s8 =	sadd.s32 $0x5200, s9  }
0xf: {  	v0 =	vimm.f32 $0.0e+00;
	s9 =	smax.u32 s10, $0x1;
	s10 =	simm.s32 $0x8000;
	s7 =	sadd.s32 $0x1200, s7  }
.LBB2_1:
0x10: {  	s19 =	simm.s32 $0x40;
	s20 =	simm.s32 $0x0  }
.LBB2_2:
0x11: {  	p0 =	sne.s32 s19, $0x3FC0;
	[tilespmem:s20+$0x10000] =	vst v0;
	s20 =	smov.u32 s19;
	s19 =	sadd.s32 $0x40, s19  }
.Ltmp0:
0x12: {  	(pc) =	sbr.rel @p0 .LBB2_2-.Ltmp0, $2  }
0x13: {  	_ =	sdelay $0x2  }
0x14: {  	s20 =	sshra.s32 s20, $0x2  }
0x15: {  	[tilespmem:s20+$0x10000] =	vst v0  }
0x16: {  	[tilespmem:s2], [sflag:$0x1] =	stream.linear.gather [hbm4b:s3+s2], $0x8000, $0x38;
	[tilespmem:$0x12000] =	vst v63  }
0x17: {  	_ = 	snop  }
0x18: {  	[tilespmem:s10], [sflag:$0x2] =	stream.linear.gather [hbm4b:s4+s2], $0x8000, $0x38;
	[tilespmem:$0x12000] =	vst v63  }
0x19: {  	_ =	swait.ge [sflag:s11], $0x8000  }
0x1a: {  	[sflag:s11] =	ssyncset.done $0x0  }
0x1b: {  	[sflag:s11] =	ssyncadd.s32 $0xFFFF8000  }
0x1c: {  	v1 =	vld [tilespmem:$0x10000]  }
0x1d: {  	v2 =	vld [tilespmem:$0x0];
	_ =	sdelay $0x1  }
0x1e: {  	v3 =	vld [tilespmem:$0x0]  }
0x1f: {  	v4 =	vld [tilespmem:$0x80];
	_ =	sdelay $0x1  }
0x20: {  	v1 =	vadd.f32 v2, v1;
	v2 =	vld [tilespmem:$0x100]  }
0x21: {  	v5 =	vld [tilespmem:$0x180]  }
0x22: {  	v54 =	vld [tilespmem:$0x300];
	[tilespmem:$0x11000] =	vst v3  }
0x23: {  	v3 =	vld [tilespmem:$0x280];
	[tilespmem:$0x11080] =	vst v4  }
0x24: {  	[tilespmem:$0x10000] =	vst v1;
	v1 =	vld [tilespmem:$0x200]  }
0x25: {  	[tilespmem:$0x11100] =	vst v2;
	v2 =	vld [tilespmem:$0x380]  }
0x26: {  	[tilespmem:$0x11180] =	vst v5  }
0x27: {  	[tilespmem:$0x11300] =	vst v54  }
0x28: {  	[tilespmem:$0x11280] =	vst v3  }
0x29: {  	[tilespmem:$0x11200] =	vst v1  }
0x2a: {  	[tilespmem:$0x11380] =	vst v2  }
0x2b: {  	[tilespmem:s2], [sflag:$0x1] =	stream.linear.gather [hbm4b:s5+s2], $0x8000, $0x38;
	[tilespmem:$0x12000] =	vst v63  }
0x2c: {  	_ =	swait.ge [sflag:s12], $0x8000  }
0x2d: {  	[sflag:s12] =	ssyncset.done $0x0  }
0x2e: {  	[sflag:s12] =	ssyncadd.s32 $0xFFFF8000  }
0x2f: {  	v1 =	vld [tilespmem:$0x10000]  }
0x30: {  	v2 =	vld [tilespmem:$0x8000];
	_ =	sdelay $0x1  }
0x31: {  	v3 =	vld [tilespmem:$0x8000]  }
0x32: {  	v55 =	vld [tilespmem:$0x8080];
	_ =	sdelay $0x1  }
0x33: {  	v1 =	vadd.f32 v2, v1;
	v2 =	vld [tilespmem:$0x8100]  }
0x34: {  	v56 =	vld [tilespmem:$0x8180]  }
0x35: {  	v57 =	vld [tilespmem:$0x8300];
	[tilespmem:$0x11400] =	vst v3  }
0x36: {  	v3 =	vld [tilespmem:$0x8280];
	[tilespmem:$0x11480] =	vst v55  }
0x37: {  	[tilespmem:$0x10000] =	vst v1;
	v1 =	vld [tilespmem:$0x8200]  }
0x38: {  	[tilespmem:$0x11500] =	vst v2;
	v2 =	vld [tilespmem:$0x8380]  }
0x39: {  	[tilespmem:$0x11580] =	vst v56  }
0x3a: {  	[tilespmem:$0x11700] =	vst v57  }
0x3b: {  	[tilespmem:$0x11680] =	vst v3  }
0x3c: {  	[tilespmem:$0x11600] =	vst v1  }
0x3d: {  	[tilespmem:$0x11780] =	vst v2  }
0x3e: {  	[tilespmem:s10], [sflag:$0x2] =	stream.linear.gather [hbm4b:s6+s2], $0x8000, $0x38;
	[tilespmem:$0x12000] =	vst v63  }
0x3f: {  	_ =	swait.ge [sflag:s11], $0x8000  }
0x40: {  	[sflag:s11] =	ssyncset.done $0x0  }
0x41: {  	[sflag:s11] =	ssyncadd.s32 $0xFFFF8000  }
0x42: {  	v1 =	vld [tilespmem:$0x10000]  }
0x43: {  	v2 =	vld [tilespmem:$0x0];
	_ =	sdelay $0x1  }
0x44: {  	v3 =	vld [tilespmem:$0x0]  }
0x45: {  	v58 =	vld [tilespmem:$0x80];
	_ =	sdelay $0x1  }
0x46: {  	v1 =	vadd.f32 v2, v1;
	v2 =	vld [tilespmem:$0x100]  }
0x47: {  	v59 =	vld [tilespmem:$0x180]  }
0x48: {  	v60 =	vld [tilespmem:$0x300];
	[tilespmem:$0x11800] =	vst v3  }
0x49: {  	v3 =	vld [tilespmem:$0x280];
	[tilespmem:$0x11880] =	vst v58  }
0x4a: {  	[tilespmem:$0x10000] =	vst v1;
	v1 =	vld [tilespmem:$0x200]  }
0x4b: {  	[tilespmem:$0x11900] =	vst v2;
	v2 =	vld [tilespmem:$0x380]  }
0x4c: {  	[tilespmem:$0x11980] =	vst v59  }
0x4d: {  	[tilespmem:$0x11B00] =	vst v60  }
0x4e: {  	[tilespmem:$0x11A80] =	vst v3  }
0x4f: {  	[tilespmem:$0x11A00] =	vst v1  }
0x50: {  	[tilespmem:$0x11B80] =	vst v2  }
0x51: {  	_ =	swait.ge [sflag:s12], $0x8000  }
0x52: {  	[sflag:s12] =	ssyncset.done $0x0  }
0x53: {  	[sflag:s12] =	ssyncadd.s32 $0xFFFF8000  }
0x54: {  	v1 =	vld [tilespmem:$0x10000]  }
0x55: {  	v2 =	vld [tilespmem:$0x8000];
	_ =	sdelay $0x1  }
0x56: {  	v3 =	vld [tilespmem:$0x8000]  }
0x57: {  	v61 =	vld [tilespmem:$0x8080];
	_ =	sdelay $0x1  }
0x58: {  	v1 =	vadd.f32 v2, v1;
	v2 =	vld [tilespmem:$0x8100]  }
0x59: {  	v62 =	vld [tilespmem:$0x8180]  }
0x5a: {  	v63 =	vld [tilespmem:$0x8300];
	[tilespmem:$0x11C00] =	vst v3  }
0x5b: {  	v3 =	vld [tilespmem:$0x8280];
	[tilespmem:$0x11C80] =	vst v61  }
0x5c: {  	[tilespmem:$0x10000] =	vst v1;
	v1 =	vld [tilespmem:$0x8200]  }
0x5d: {  	[tilespmem:$0x11D00] =	vst v2;
	v2 =	vld [tilespmem:$0x8380]  }
0x5e: {  	[tilespmem:$0x11D80] =	vst v62  }
0x5f: {  	[tilespmem:$0x11F00] =	vst v63  }
0x60: {  	[tilespmem:$0x11E80] =	vst v3  }
0x61: {  	[tilespmem:$0x11E00] =	vst v1  }
0x62: {  	[tilespmem:$0x11F80] =	vst v2  }
0x63: {  	[hbm4b:s7+s13] =	stream.strided.scatter [tilespmem:s15], [sflag:$0x3], $0x1000, s14, s13, $0x38;
	[tilespmem:$0x12000] =	vst v63  }
0x64: {  	s18 =	sadd.s32 $0x1, s18;
	_ =	swait.ge [sflag:s16], $0x1000  }
0x65: {  	p0 =	sne.s32 s18, s9;
	[sflag:s16] =	ssyncset.done $0x0  }
.Ltmp1:
0x66: {  	[sflag:s16] =	ssyncadd.s32 $0xFFFFF000;
	(pc) =	sbr.rel @p0 .LBB2_1-.Ltmp1, $4  }
0x67: {  	[hbm4b:s8+s2] =	stream.linear.scatter [tilespmem:s17], [sflag:$0x3], $0x1000, $0x38;
	[tilespmem:$0x12000] =	vst v63  }
0x68: {  	_ =	swait.ge [sflag:s16], $0x1000  }
0x69: {  	[sflag:s16] =	ssyncset.done $0x0  }
0x6a: {  	[sflag:s16] =	ssyncadd.s32 $0xFFFFF000  }
0x6b: {  	_ =	sfence.sel $0x180000  }
0x6c: {  	[bflag:$0x0] =	sbarrier.arrive $0xFFFF  }
0x6d: {  	p0 =	sne.s32 s1, $0x0;
	_ =	strace $0x90000047  }
0x6e: {  	s0 =	sadd.s32 @!p0 $0x100000, s0;
	[bflag:$0x2] =	sbarrier.arrive $0xFFFF  }
0x6f: {  	[sflag:s0] =	ssyncadd.tile.s32 @!p0 $0x1;
	_ =	shalt  }
.Lfunc_end2:
_tile_overlayer_lowered:
.L_overlay_start_2:
0x70: {  	(tag) =	ssettag $0x2  }
0x71: {  	s0 =	rddreg [dreg:$0x0];
	s2 =	stileid.u32  }
0x72: {  	s1 =	rddreg [dreg:$0x1];
	p0 =	sne.s32 s2, $0x0  }
0x73: {  	s3 =	rddreg [dreg:$0x2];
	[bflag:$0x3] =	sbarrier.arrive $0xFFFF;
	s2 =	simm.s32 @!p0 $0x1C03  }
0x74: {  	[timem:s3], [sflag:s2] =	dma.local @!p0 [hbm:s0], s1  }
0x75: {  	s0 =	simm.s32 @!p0 $0x3  }
0x76: {  	_ =	swait.ge @!p0 [sflag:s0], s1  }
0x77: {  	s1 =	ssub.s32 @!p0 $0x0, s1;
	[sflag:s0] =	ssyncset.done @!p0 $0x0  }
0x78: {  	[sflag:s0] =	ssyncadd.s32 @!p0 s1  }
0x79: {  	[bflag:$0x3] =	sbarrier.arrive $0xFFFF  }
0x7a: {  	_ =	shalt  }

</sc_bundles>
